<compile_context>
chip_gen: v7x
topology: tpu7x:2x2x1
jax: 0.10.2.dev20260603
libtpu: 0.0.44.dev20260713+nightly
codegen_flags: <defaults>
</compile_context>

<pallas_src>
import functools

import jax
import jax.numpy as jnp
from jax import lax
from jax.experimental import pallas as pl
from jax.experimental.pallas import tpu as pltpu
from jax.experimental.pallas import tpu_sc as plsc

NA = 2000
NN = 10000
D = 128
TH2 = 0.05 * 0.05
EPS = 1e-5

K = 160
NAP = 2048
NW = 32
APW = NAP // NW
SLACK = 16
BA = 8
EB = BA * K
GCHUNK = 128


def _sc_build(ax, ay, nx, ny):
    mesh = plsc.VectorSubcoreMesh(core_axis_name="c", subcore_axis_name="s")

    @functools.partial(
        pl.kernel,
        out_type=[
            jax.ShapeDtypeStruct((NAP * K,), jnp.int32),
            jax.ShapeDtypeStruct((NAP * K,), jnp.float32),
            jax.ShapeDtypeStruct((NAP * K,), jnp.float32),
            jax.ShapeDtypeStruct((NAP * K,), jnp.float32),
        ],
        mesh=mesh,
        compiler_params=pltpu.CompilerParams(needs_layout_passes=False),
        scratch_types=[
            pltpu.VMEM((NN,), jnp.float32),
            pltpu.VMEM((NN,), jnp.float32),
            pltpu.VMEM((NN,), jnp.float32),
            pltpu.VMEM((NN,), jnp.float32),
            pltpu.VMEM((NN,), jnp.float32),
            pltpu.VMEM((APW + 16,), jnp.float32),
            pltpu.VMEM((APW + 16,), jnp.float32),
            pltpu.VMEM((APW + 16,), jnp.float32),
            pltpu.VMEM((APW + 16,), jnp.float32),
            pltpu.VMEM((APW * K + SLACK,), jnp.int32),
            pltpu.VMEM((APW * K + SLACK,), jnp.float32),
            pltpu.VMEM((APW * K + SLACK,), jnp.float32),
            pltpu.VMEM((APW * K + SLACK,), jnp.float32),
        ],
    )
    def build(ax_h, ay_h, nx_h, ny_h, nbr_h, dx_h, dy_h, wv_h,
              nxv, nyv, nnv, nxb, nyb, axv, ayv, axb, ayb,
              anbr, adx, ady, awv):
        def bf16r(x):
            u = plsc.bitcast(x, jnp.int32)
            r = (u + 0x7FFF + ((u >> 16) & 1)) & jnp.int32(-65536)
            return plsc.bitcast(r, jnp.float32)
        cid = lax.axis_index("c")
        sid = lax.axis_index("s")
        wid = sid * 2 + cid
        a0 = wid * APW
        pltpu.sync_copy(nx_h, nxv)
        pltpu.sync_copy(ny_h, nyv)
        pltpu.sync_copy(ax_h.at[pl.ds(a0, APW)], axv.at[pl.ds(0, APW)])
        pltpu.sync_copy(ay_h.at[pl.ds(a0, APW)], ayv.at[pl.ds(0, APW)])

        def nprep_body(j, carry):
            sl = pl.ds(j * 16, 16)
            nxc = nxv[sl]
            nyc = nyv[sl]
            nnv[sl] = nxc * nxc + nyc * nyc
            nxb[sl] = bf16r(nxc)
            nyb[sl] = bf16r(nyc)
            return carry

        lax.fori_loop(0, NN // 16, nprep_body, 0)

        def aprep_body(j, carry):
            sl = pl.ds(j * 16, 16)
            axb[sl] = bf16r(axv[sl])
            ayb[sl] = bf16r(ayv[sl])
            return carry

        lax.fori_loop(0, APW // 16, aprep_body, 0)

        zi = jnp.zeros((16,), jnp.int32)
        zf = jnp.zeros((16,), jnp.float32)

        def zero_body(j, carry):
            sl = pl.ds(j * 16, 16)
            anbr[sl] = zi
            adx[sl] = zf
            ady[sl] = zf
            awv[sl] = zf
            return carry

        lax.fori_loop(0, (APW * K + SLACK) // 16, zero_body, 0)

        ones = jnp.ones((16,), jnp.float32)

        def actor_body(i, carry):
            axs = axv[pl.ds(i, 16)][0]
            ays = ayv[pl.ds(i, 16)][0]
            axbs = axb[pl.ds(i, 16)][0]
            aybs = ayb[pl.ds(i, 16)][0]
            aas = axs * axs + ays * ays
            wbase = i * K

            def chunk_body(j, off):
                sl = pl.ds(j * 16, 16)
                nxc = nxv[sl]
                nyc = nyv[sl]
                dx = axs - nxc
                dy = ays - nyc
                t = axbs * nxb[sl] + aybs * nyb[sl]
                d2 = (aas + nnv[sl]) - 2.0 * t
                m = d2 <= TH2
                idx = j * 16 + lax.iota(jnp.int32, 16)
                w = pl.ds(wbase + off, 16)
                plsc.store_compressed(anbr.at[w], idx, mask=m)
                plsc.store_compressed(adx.at[w], dx, mask=m)
                plsc.store_compressed(ady.at[w], dy, mask=m)
                plsc.store_compressed(awv.at[w], ones, mask=m)
                cnt = plsc.all_reduce_population_count(m)[0]
                return jnp.minimum(off + cnt, K)

            lax.fori_loop(0, NN // 16, chunk_body, jnp.int32(0))
            return carry

        lax.fori_loop(0, APW, actor_body, 0)

        e0 = a0 * K
        pltpu.sync_copy(anbr.at[pl.ds(0, APW * K)], nbr_h.at[pl.ds(e0, APW * K)])
        pltpu.sync_copy(adx.at[pl.ds(0, APW * K)], dx_h.at[pl.ds(e0, APW * K)])
        pltpu.sync_copy(ady.at[pl.ds(0, APW * K)], dy_h.at[pl.ds(e0, APW * K)])
        pltpu.sync_copy(awv.at[pl.ds(0, APW * K)], wv_h.at[pl.ds(e0, APW * K)])

    return build(ax, ay, nx, ny)


def _sc_gather(nodes, nbr):
    mesh = plsc.VectorSubcoreMesh(core_axis_name="c", subcore_axis_name="s")
    rpw = NAP * K // NW
    GB = 5
    grows = GB * GCHUNK
    ngr = rpw // grows

    @functools.partial(
        pl.kernel,
        out_type=jax.ShapeDtypeStruct((NAP * K, D), jnp.float32),
        mesh=mesh,
        compiler_params=pltpu.CompilerParams(needs_layout_passes=False),
        scratch_types=[
            pltpu.VMEM((grows,), jnp.int32),
            pltpu.VMEM((grows, D), jnp.float32),
            pltpu.SemaphoreType.DMA,
        ],
    )
    def gather(nodes_h, nbr_h, out_h, idx_v, rows_v, sem):
        cid = lax.axis_index("c")
        sid = lax.axis_index("s")
        wid = sid * 2 + cid
        r0 = wid * rpw

        def body(g, carry):
            base = r0 + g * grows
            pltpu.sync_copy(nbr_h.at[pl.ds(base, grows)], idx_v)
            cps = [
                pltpu.async_copy(
                    nodes_h.at[idx_v.at[pl.ds(b * GCHUNK, GCHUNK)]],
                    rows_v.at[pl.ds(b * GCHUNK, GCHUNK)], sem)
                for b in range(GB)
            ]
            for cp in cps:
                cp.wait()
            pltpu.sync_copy(rows_v, out_h.at[pl.ds(base, grows)])
            return carry

        lax.fori_loop(0, ngr, body, 0)

    return gather(nodes, nbr)


def _gn_rows(x, g, b):
    m = jnp.mean(x, axis=1, keepdims=True)
    xc = x - m
    v = jnp.mean(xc * xc, axis=1, keepdims=True)
    return xc * lax.rsqrt(v + EPS) * g + b


def _dot(a, b):
    return jnp.dot(a, b, preferred_element_type=jnp.float32,
                   precision=lax.Precision.HIGHEST)


def _dotf(a, b):
    return jnp.dot(a, b, preferred_element_type=jnp.float32)


def _edge_body(g_ref, dx_ref, dy_ref, wv_ref, q2_ref, new_ref,
               w0t_ref, b0_ref, w1t_ref, g1_ref, be1_ref,
               wdt_ref, wct_ref, g0_ref, be0_ref, w2t_ref, out_ref):
    dx = dx_ref[...]
    dy = dy_ref[...]
    w0t = w0t_ref[...]
    h = jnp.maximum(dx * w0t[0:1, :] + dy * w0t[1:2, :] + b0_ref[...], 0.0)
    d1 = _dot(h, w1t_ref[...])
    d = jnp.maximum(_gn_rows(d1, g1_ref[...], be1_ref[...]), 0.0)
    pre = _dotf(d, wdt_ref[...]) + _dotf(g_ref[...], wct_ref[...])
    q2 = q2_ref[...]
    q2rep = jnp.concatenate(
        [jnp.broadcast_to(q2[a:a + 1, :], (K, D)) for a in range(BA)], axis=0)
    pre = pre + q2rep
    cact = jnp.maximum(_gn_rows(pre, g0_ref[...], be0_ref[...]), 0.0)
    c = _dotf(cact, w2t_ref[...]) * wv_ref[...]
    seg = jnp.concatenate(
        [jnp.sum(c[a * K:(a + 1) * K, :], axis=0, keepdims=True)
         for a in range(BA)], axis=0)
    out_ref[...] = new_ref[...] + seg


def _tc_edge(G, dx2, dy2, wv2, q2, new, w0t, b0, w1t, g1, be1,
             wdt, wct, g0, be0, w2t):
    grid = NAP // BA
    ebs = lambda: pl.BlockSpec((EB, 1), lambda g: (g, 0))
    wsp = lambda r: pl.BlockSpec((r, D), lambda g: (0, 0))
    return pl.pallas_call(
        _edge_body,
        grid=(grid,),
        in_specs=[
            pl.BlockSpec((EB, D), lambda g: (g, 0)),
            ebs(), ebs(), ebs(),
            pl.BlockSpec((BA, D), lambda g: (g, 0)),
            pl.BlockSpec((BA, D), lambda g: (g, 0)),
            wsp(2), wsp(1), wsp(D), wsp(1), wsp(1),
            wsp(D), wsp(D), wsp(1), wsp(1), wsp(D),
        ],
        out_specs=pl.BlockSpec((BA, D), lambda g: (g, 0)),
        out_shape=jax.ShapeDtypeStruct((NAP, D), jnp.float32),
    )(G, dx2, dy2, wv2, q2, new, w0t, b0, w1t, g1, be1,
      wdt, wct, g0, be0, w2t)


def _prep_body(agts_ref, qwt_ref, qg_ref, qbe_ref, wqt_ref, awt_ref,
               q2_ref, new_ref):
    x = agts_ref[...]
    q = jnp.maximum(_gn_rows(_dot(x, qwt_ref[...]), qg_ref[...], qbe_ref[...]), 0.0)
    q2_ref[...] = _dot(q, wqt_ref[...])
    new_ref[...] = _dot(x, awt_ref[...])


def _tc_prep(agts, qwt, qg, qbe, wqt, awt):
    rb = 256
    wsp = lambda r: pl.BlockSpec((r, D), lambda g: (0, 0))
    return pl.pallas_call(
        _prep_body,
        grid=(NAP // rb,),
        in_specs=[
            pl.BlockSpec((rb, D), lambda g: (g, 0)),
            wsp(D), wsp(1), wsp(1), wsp(D), wsp(D),
        ],
        out_specs=[
            pl.BlockSpec((rb, D), lambda g: (g, 0)),
            pl.BlockSpec((rb, D), lambda g: (g, 0)),
        ],
        out_shape=[
            jax.ShapeDtypeStruct((NAP, D), jnp.float32),
            jax.ShapeDtypeStruct((NAP, D), jnp.float32),
        ],
    )(agts, qwt, qg, qbe, wqt, awt)


def _epi_body(att_ref, res_ref, ng_ref, nbe_ref, lwt_ref, lg_ref, lbe_ref,
              out_ref):
    x = jnp.maximum(_gn_rows(att_ref[...], ng_ref[...], nbe_ref[...]), 0.0)
    x = _gn_rows(_dot(x, lwt_ref[...]), lg_ref[...], lbe_ref[...])
    out_ref[...] = jnp.maximum(x + res_ref[...], 0.0)


def _tc_epi(att, res, ng, nbe, lwt, lg, lbe):
    rb = 256
    wsp = lambda r: pl.BlockSpec((r, D), lambda g: (0, 0))
    return pl.pallas_call(
        _epi_body,
        grid=(NAP // rb,),
        in_specs=[
            pl.BlockSpec((rb, D), lambda g: (g, 0)),
            pl.BlockSpec((rb, D), lambda g: (g, 0)),
            wsp(1), wsp(1), wsp(D), wsp(1), wsp(1),
        ],
        out_specs=pl.BlockSpec((rb, D), lambda g: (g, 0)),
        out_shape=jax.ShapeDtypeStruct((NAP, D), jnp.float32),
    )(att, res, ng, nbe, lwt, lg, lbe)


def _layer(agts, G, dx2, dy2, wv2, p):
    r1 = lambda v: v.reshape(1, D)
    q2, new = _tc_prep(
        agts, p['query_w'].T, r1(p['query_g']), r1(p['query_be']),
        p['ctx_w0'][:, D:2 * D].T, p['agt_w'].T)
    att = _tc_edge(
        G, dx2, dy2, wv2, q2, new,
        p['dist_w0'].T, r1(p['dist_b0']), p['dist_w1'].T,
        r1(p['dist_g1']), r1(p['dist_be1']),
        p['ctx_w0'][:, :D].T, p['ctx_w0'][:, 2 * D:].T,
        r1(p['ctx_g0']), r1(p['ctx_be0']), p['ctx_w1'].T)
    return _tc_epi(att, agts, r1(p['norm_g']), r1(p['norm_be']),
                   p['lin_w'].T, r1(p['lin_g']), r1(p['lin_be']))


def kernel(actors, actor_idcs, actor_ctrs, nodes, node_idcs, node_ctrs, params):
    padc = jnp.full((NAP - NA,), 99.0, jnp.float32)
    ax = jnp.concatenate([actor_ctrs[:, 0], padc])
    ay = jnp.concatenate([actor_ctrs[:, 1], padc])
    nx = node_ctrs[:, 0] + 0.0
    ny = node_ctrs[:, 1] + 0.0

    nbr, dxe, dye, wve = _sc_build(ax, ay, nx, ny)
    G = _sc_gather(nodes, nbr)
    dx2 = dxe[:, None]
    dy2 = dye[:, None]
    wv2 = wve[:, None]

    agts = jnp.concatenate([actors, jnp.zeros((NAP - NA, D), jnp.float32)], axis=0)
    for name in ('att0', 'att1'):
        agts = _layer(agts, G, dx2, dy2, wv2, params[name])
    return agts[:NA]

# --- scband reference (transcript-rebuilt; emitter-appended) ---
"""Pipeline reference for scband-m2-a-40810779247350 (READ-ONLY COPY).

The authoritative reference and input builder live on the scoring server;
editing this copy changes nothing except your own understanding.
"""

import jax, jax.numpy as jnp
import numpy as np

N_ACTOR = 2000
N_NODE = 10000
D = 128
DIST_TH = 0.05
EPS = 1e-5
CHUNK = 40


def _gn(x, g, b):
    # GroupNorm with num_groups=1 on [N, C] input (matches torch nn.GroupNorm(1, C))
    m = jnp.mean(x, axis=1, keepdims=True)
    v = jnp.mean((x - m) ** 2, axis=1, keepdims=True)
    return (x - m) / jnp.sqrt(v + EPS) * g + b


def _linear_block(x, w, g, b, act=True):
    out = x @ w.T
    out = _gn(out, g, b)
    if act:
        out = jax.nn.relu(out)
    return out


def _make_att_params(key):
    ks = jax.random.split(key, 7)

    def w(k, o, i):
        return (jax.random.normal(k, (o, i), dtype=jnp.float32) / np.sqrt(i)).astype(jnp.float32)

    return {
        'dist_w0': w(ks[0], D, 2),
        'dist_b0': jnp.zeros((D,), jnp.float32),
        'dist_w1': w(ks[1], D, D),
        'dist_g1': jnp.ones((D,), jnp.float32),
        'dist_be1': jnp.zeros((D,), jnp.float32),
        'query_w': w(ks[2], D, D),
        'query_g': jnp.ones((D,), jnp.float32),
        'query_be': jnp.zeros((D,), jnp.float32),
        'ctx_w0': w(ks[3], D, 3 * D),
        'ctx_g0': jnp.ones((D,), jnp.float32),
        'ctx_be0': jnp.zeros((D,), jnp.float32),
        'ctx_w1': w(ks[4], D, D),
        'agt_w': w(ks[5], D, D),
        'norm_g': jnp.ones((D,), jnp.float32),
        'norm_be': jnp.zeros((D,), jnp.float32),
        'lin_w': w(ks[6], D, D),
        'lin_g': jnp.ones((D,), jnp.float32),
        'lin_be': jnp.zeros((D,), jnp.float32),
    }


def setup_inputs(seed: int = 0) -> dict:
    key = jax.random.key(seed)
    k = jax.random.split(key, 6)
    actors = jax.random.normal(k[0], (N_ACTOR, D), dtype=jnp.float32)
    actor_idcs = jnp.arange(N_ACTOR)
    actor_ctrs = jax.random.uniform(k[1], (N_ACTOR, 2), dtype=jnp.float32)
    nodes = jax.random.normal(k[2], (N_NODE, D), dtype=jnp.float32)
    node_idcs = jnp.arange(N_NODE)
    node_ctrs = jax.random.uniform(k[3], (N_NODE, 2), dtype=jnp.float32)
    params = {'att0': _make_att_params(k[4]), 'att1': _make_att_params(k[5])}
    return {'actors': actors, 'actor_idcs': actor_idcs, 'actor_ctrs': actor_ctrs,
            'nodes': nodes, 'node_idcs': node_idcs, 'node_ctrs': node_ctrs,
            'params': params}


def _edges(actor_ctrs, node_ctrs):
    # pairwise squared distances (batch_size = 1, so no index offsets needed)
    d2 = ((actor_ctrs ** 2).sum(1)[:, None]
          + (node_ctrs ** 2).sum(1)[None, :]
          - 2.0 * actor_ctrs @ node_ctrs.T)
    return d2 <= DIST_TH ** 2


def _att(p, agts, agt_ctrs, ctx_feat, ctx_ctrs, mask):
    res = agts
    n_agt = agts.shape[0]
    n_ctx = ctx_feat.shape[0]
    q_all = _linear_block(agts, p['query_w'], p['query_g'], p['query_be'], act=True)
    new = agts @ p['agt_w'].T
    n_chunks = n_agt // CHUNK

    def body(t, acc):
        i0 = t * CHUNK
        a_ctrs = jax.lax.dynamic_slice(agt_ctrs, (i0, 0), (CHUNK, 2))
        dist = (a_ctrs[:, None, :] - ctx_ctrs[None, :, :]).reshape(CHUNK * n_ctx, 2)
        m = jax.lax.dynamic_slice(mask, (i0, 0), (CHUNK, n_ctx)).reshape(CHUNK * n_ctx)
        d = jax.nn.relu(dist @ p['dist_w0'].T + p['dist_b0'])
        d = _linear_block(d, p['dist_w1'], p['dist_g1'], p['dist_be1'], act=True)
        q = jnp.repeat(jax.lax.dynamic_slice(q_all, (i0, 0), (CHUNK, q_all.shape[1])), n_ctx, axis=0)
        cf = jnp.broadcast_to(ctx_feat[None, :, :], (CHUNK, n_ctx, ctx_feat.shape[1])).reshape(CHUNK * n_ctx, ctx_feat.shape[1])
        c = jnp.concatenate([d, q, cf], axis=1)
        c = _linear_block(c, p['ctx_w0'], p['ctx_g0'], p['ctx_be0'], act=True)
        c = c @ p['ctx_w1'].T
        c = jnp.where(m[:, None], c, 0.0)
        hi = i0 + jnp.repeat(jnp.arange(CHUNK), n_ctx)
        return acc.at[hi].add(c)

    agts = jax.lax.fori_loop(0, n_chunks, body, new)
    agts = _gn(agts, p['norm_g'], p['norm_be'])
    agts = jax.nn.relu(agts)
    agts = _linear_block(agts, p['lin_w'], p['lin_g'], p['lin_be'], act=False)
    agts = agts + res
    agts = jax.nn.relu(agts)
    return agts


def reference(actors, actor_idcs, actor_ctrs, nodes, node_idcs, node_ctrs, params):
    mask = _edges(actor_ctrs, node_ctrs)
    agts = actors
    for name in ('att0', 'att1'):
        agts = _att(params[name], agts, actor_ctrs, nodes, node_ctrs, mask)
    return agts

if __name__ == "__main__":
    import jax
    _d = setup_inputs()
    print(jax.jit(kernel)(*tuple(_d.values())))

</pallas_src>

<mosaic_0001>
#map = affine_map<(d0, d1) -> (0, 0)>
#map1 = affine_map<(d0, d1) -> (0)>
module attributes {stable_mosaic.version = 14 : i64} {
  func.func @gather(%arg0: i32, %arg1: i32, %arg2: memref<10000x128xf32, #tpu.memory_space<hbm>>, %arg3: memref<327680xi32, #tpu.memory_space<hbm>>, %arg4: memref<327680x128xf32, #tpu.memory_space<hbm>>, %arg5: memref<640xi32, #tpu.memory_space<vmem>>, %arg6: memref<640x128xf32, #tpu.memory_space<vmem>>, %arg7: memref<!tpu.dma_semaphore, #tpu.memory_space<semaphore_mem>>) attributes {dimension_semantics = [#tpu.dimension_semantics<core_parallel>, #tpu.dimension_semantics<subcore_parallel>], iteration_bounds = array<i64: 2, 16>, scalar_prefetch = 0 : i64, scratch_operands = 3 : i64, tpu.core_type = #tpu.core_type<sc_vector_subcore>, window_params = [{transform_indices = #map}, {transform_indices = #map1}, {transform_indices = #map}]} {
    %mul3A = arith.constant 2 : i32
    %mul3A_0 = arith.muli %arg1, %mul3A : i32
    %add3A = arith.addi %mul3A_0, %arg0 : i32
    %mul3A_1 = arith.constant 10240 : i32
    %mul3A_2 = arith.muli %add3A, %mul3A_1 : i32
    %scan3A = arith.constant 0 : i32
    %scan3A_3 = arith.constant 0 : i32
    %scan3A_4 = arith.constant 16 : i32
    %scan3A_5 = arith.addi %scan3A_3, %scan3A_4 : i32
    %scan3A_6 = arith.constant 1 : i32
    scf.for %scan3A_8 = %scan3A_3 to %scan3A_5 step %scan3A_6  : i32 {
      %mul3A_9 = arith.constant 640 : i32
      %mul3A_10 = arith.muli %scan3A_8, %mul3A_9 : i32
      %add3A_11 = arith.addi %mul3A_2, %mul3A_10 : i32
      "tpu.region"() ({
        %run_scoped3A = tpu.sem_alloc : memref<!tpu.dma_semaphore, #tpu.memory_space<semaphore_mem>>
        %dma_start3A_90 = tpu.memref_slice %arg3[%add3A_11] : memref<327680xi32, #tpu.memory_space<hbm>> -> memref<640xi32, #tpu.memory_space<hbm>>
        %dma_start3A_91 = tpu.memref_slice %arg3[%add3A_11] : memref<327680xi32, #tpu.memory_space<hbm>> -> memref<640xi32, #tpu.memory_space<hbm>>
        tpu.enqueue_dma source(%dma_start3A_91 : memref<640xi32, #tpu.memory_space<hbm>>) target(%arg5 : memref<640xi32, #tpu.memory_space<vmem>>) target_semaphore(%run_scoped3A : memref<!tpu.dma_semaphore, #tpu.memory_space<semaphore_mem>>)
        %dma_wait3A_92 = tpu.memref_slice %arg3[%add3A_11] : memref<327680xi32, #tpu.memory_space<hbm>> -> memref<640xi32, #tpu.memory_space<hbm>>
        %dma_wait3A_93 = tpu.memref_slice %arg3[%add3A_11] : memref<327680xi32, #tpu.memory_space<hbm>> -> memref<640xi32, #tpu.memory_space<hbm>>
        tpu.wait_dma2 semaphore(%run_scoped3A : memref<!tpu.dma_semaphore, #tpu.memory_space<semaphore_mem>>) src(%dma_wait3A_93 : memref<640xi32, #tpu.memory_space<hbm>>) dst(%arg5 : memref<640xi32, #tpu.memory_space<vmem>>)
        tpu.yield
      }) : () -> ()
      %dma_start3A = arith.constant 0 : i32
      %dma_start3A_12 = arith.constant 0 : i32
      %dma_start3A_13 = tpu.memref_slice %arg6[%dma_start3A, %dma_start3A_12] : memref<640x128xf32, #tpu.memory_space<vmem>> -> memref<128x128xf32, #tpu.memory_space<vmem>>
      %dma_start3A_14 = arith.constant 0 : i32
      %dma_start3A_15 = tpu.memref_slice %arg5[%dma_start3A_14] : memref<640xi32, #tpu.memory_space<vmem>> -> memref<128xi32, #tpu.memory_space<vmem>>
      %dma_start3A_16 = arith.constant 0 : i32
      %dma_start3A_17 = arith.constant 0 : i32
      %dma_start3A_18 = tpu.memref_slice %arg2[%dma_start3A_16, %dma_start3A_17] : memref<10000x128xf32, #tpu.memory_space<hbm>> -> memref<10000x128xf32, #tpu.memory_space<hbm>>
      tpu.enqueue_indirect_dma source(%dma_start3A_18 : memref<10000x128xf32, #tpu.memory_space<hbm>>) target(%dma_start3A_13 : memref<128x128xf32, #tpu.memory_space<vmem>>) offsets(%dma_start3A_15 : memref<128xi32, #tpu.memory_space<vmem>>) semaphore(%arg7 : memref<!tpu.dma_semaphore, #tpu.memory_space<semaphore_mem>>)
      %dma_start3A_19 = arith.constant 128 : i32
      %dma_start3A_20 = arith.constant 0 : i32
      %dma_start3A_21 = tpu.memref_slice %arg6[%dma_start3A_19, %dma_start3A_20] : memref<640x128xf32, #tpu.memory_space<vmem>> -> memref<128x128xf32, #tpu.memory_space<vmem>>
      %dma_start3A_22 = arith.constant 128 : i32
      %dma_start3A_23 = tpu.memref_slice %arg5[%dma_start3A_22] : memref<640xi32, #tpu.memory_space<vmem>> -> memref<128xi32, #tpu.memory_space<vmem>>
      %dma_start3A_24 = arith.constant 0 : i32
      %dma_start3A_25 = arith.constant 0 : i32
      %dma_start3A_26 = tpu.memref_slice %arg2[%dma_start3A_24, %dma_start3A_25] : memref<10000x128xf32, #tpu.memory_space<hbm>> -> memref<10000x128xf32, #tpu.memory_space<hbm>>
      tpu.enqueue_indirect_dma source(%dma_start3A_26 : memref<10000x128xf32, #tpu.memory_space<hbm>>) target(%dma_start3A_21 : memref<128x128xf32, #tpu.memory_space<vmem>>) offsets(%dma_start3A_23 : memref<128xi32, #tpu.memory_space<vmem>>) semaphore(%arg7 : memref<!tpu.dma_semaphore, #tpu.memory_space<semaphore_mem>>)
      %dma_start3A_27 = arith.constant 256 : i32
      %dma_start3A_28 = arith.constant 0 : i32
      %dma_start3A_29 = tpu.memref_slice %arg6[%dma_start3A_27, %dma_start3A_28] : memref<640x128xf32, #tpu.memory_space<vmem>> -> memref<128x128xf32, #tpu.memory_space<vmem>>
      %dma_start3A_30 = arith.constant 256 : i32
      %dma_start3A_31 = tpu.memref_slice %arg5[%dma_start3A_30] : memref<640xi32, #tpu.memory_space<vmem>> -> memref<128xi32, #tpu.memory_space<vmem>>
      %dma_start3A_32 = arith.constant 0 : i32
      %dma_start3A_33 = arith.constant 0 : i32
      %dma_start3A_34 = tpu.memref_slice %arg2[%dma_start3A_32, %dma_start3A_33] : memref<10000x128xf32, #tpu.memory_space<hbm>> -> memref<10000x128xf32, #tpu.memory_space<hbm>>
      tpu.enqueue_indirect_dma source(%dma_start3A_34 : memref<10000x128xf32, #tpu.memory_space<hbm>>) target(%dma_start3A_29 : memref<128x128xf32, #tpu.memory_space<vmem>>) offsets(%dma_start3A_31 : memref<128xi32, #tpu.memory_space<vmem>>) semaphore(%arg7 : memref<!tpu.dma_semaphore, #tpu.memory_space<semaphore_mem>>)
      %dma_start3A_35 = arith.constant 384 : i32
      %dma_start3A_36 = arith.constant 0 : i32
      %dma_start3A_37 = tpu.memref_slice %arg6[%dma_start3A_35, %dma_start3A_36] : memref<640x128xf32, #tpu.memory_space<vmem>> -> memref<128x128xf32, #tpu.memory_space<vmem>>
      %dma_start3A_38 = arith.constant 384 : i32
      %dma_start3A_39 = tpu.memref_slice %arg5[%dma_start3A_38] : memref<640xi32, #tpu.memory_space<vmem>> -> memref<128xi32, #tpu.memory_space<vmem>>
      %dma_start3A_40 = arith.constant 0 : i32
      %dma_start3A_41 = arith.constant 0 : i32
      %dma_start3A_42 = tpu.memref_slice %arg2[%dma_start3A_40, %dma_start3A_41] : memref<10000x128xf32, #tpu.memory_space<hbm>> -> memref<10000x128xf32, #tpu.memory_space<hbm>>
      tpu.enqueue_indirect_dma source(%dma_start3A_42 : memref<10000x128xf32, #tpu.memory_space<hbm>>) target(%dma_start3A_37 : memref<128x128xf32, #tpu.memory_space<vmem>>) offsets(%dma_start3A_39 : memref<128xi32, #tpu.memory_space<vmem>>) semaphore(%arg7 : memref<!tpu.dma_semaphore, #tpu.memory_space<semaphore_mem>>)
      %dma_start3A_43 = arith.constant 512 : i32
      %dma_start3A_44 = arith.constant 0 : i32
      %dma_start3A_45 = tpu.memref_slice %arg6[%dma_start3A_43, %dma_start3A_44] : memref<640x128xf32, #tpu.memory_space<vmem>> -> memref<128x128xf32, #tpu.memory_space<vmem>>
      %dma_start3A_46 = arith.constant 512 : i32
      %dma_start3A_47 = tpu.memref_slice %arg5[%dma_start3A_46] : memref<640xi32, #tpu.memory_space<vmem>> -> memref<128xi32, #tpu.memory_space<vmem>>
      %dma_start3A_48 = arith.constant 0 : i32
      %dma_start3A_49 = arith.constant 0 : i32
      %dma_start3A_50 = tpu.memref_slice %arg2[%dma_start3A_48, %dma_start3A_49] : memref<10000x128xf32, #tpu.memory_space<hbm>> -> memref<10000x128xf32, #tpu.memory_space<hbm>>
      tpu.enqueue_indirect_dma source(%dma_start3A_50 : memref<10000x128xf32, #tpu.memory_space<hbm>>) target(%dma_start3A_45 : memref<128x128xf32, #tpu.memory_space<vmem>>) offsets(%dma_start3A_47 : memref<128xi32, #tpu.memory_space<vmem>>) semaphore(%arg7 : memref<!tpu.dma_semaphore, #tpu.memory_space<semaphore_mem>>)
      %dma_wait3A = arith.constant 0 : i32
      %dma_wait3A_51 = arith.constant 0 : i32
      %dma_wait3A_52 = tpu.memref_slice %arg6[%dma_wait3A, %dma_wait3A_51] : memref<640x128xf32, #tpu.memory_space<vmem>> -> memref<128x128xf32, #tpu.memory_space<vmem>>
      %dma_wait3A_53 = arith.constant 0 : i32
      %dma_wait3A_54 = tpu.memref_slice %arg5[%dma_wait3A_53] : memref<640xi32, #tpu.memory_space<vmem>> -> memref<128xi32, #tpu.memory_space<vmem>>
      %dma_wait3A_55 = arith.constant 0 : i32
      %dma_wait3A_56 = arith.constant 0 : i32
      %dma_wait3A_57 = tpu.memref_slice %arg2[%dma_wait3A_55, %dma_wait3A_56] : memref<10000x128xf32, #tpu.memory_space<hbm>> -> memref<10000x128xf32, #tpu.memory_space<hbm>>
      tpu.wait_indirect_dma semaphore(%arg7 : memref<!tpu.dma_semaphore, #tpu.memory_space<semaphore_mem>>) src(%dma_wait3A_57 : memref<10000x128xf32, #tpu.memory_space<hbm>>) dst(%dma_wait3A_52 : memref<128x128xf32, #tpu.memory_space<vmem>>)
      %dma_wait3A_58 = arith.constant 128 : i32
      %dma_wait3A_59 = arith.constant 0 : i32
      %dma_wait3A_60 = tpu.memref_slice %arg6[%dma_wait3A_58, %dma_wait3A_59] : memref<640x128xf32, #tpu.memory_space<vmem>> -> memref<128x128xf32, #tpu.memory_space<vmem>>
      %dma_wait3A_61 = arith.constant 128 : i32
      %dma_wait3A_62 = tpu.memref_slice %arg5[%dma_wait3A_61] : memref<640xi32, #tpu.memory_space<vmem>> -> memref<128xi32, #tpu.memory_space<vmem>>
      %dma_wait3A_63 = arith.constant 0 : i32
      %dma_wait3A_64 = arith.constant 0 : i32
      %dma_wait3A_65 = tpu.memref_slice %arg2[%dma_wait3A_63, %dma_wait3A_64] : memref<10000x128xf32, #tpu.memory_space<hbm>> -> memref<10000x128xf32, #tpu.memory_space<hbm>>
      tpu.wait_indirect_dma semaphore(%arg7 : memref<!tpu.dma_semaphore, #tpu.memory_space<semaphore_mem>>) src(%dma_wait3A_65 : memref<10000x128xf32, #tpu.memory_space<hbm>>) dst(%dma_wait3A_60 : memref<128x128xf32, #tpu.memory_space<vmem>>)
      %dma_wait3A_66 = arith.constant 256 : i32
      %dma_wait3A_67 = arith.constant 0 : i32
      %dma_wait3A_68 = tpu.memref_slice %arg6[%dma_wait3A_66, %dma_wait3A_67] : memref<640x128xf32, #tpu.memory_space<vmem>> -> memref<128x128xf32, #tpu.memory_space<vmem>>
      %dma_wait3A_69 = arith.constant 256 : i32
      %dma_wait3A_70 = tpu.memref_slice %arg5[%dma_wait3A_69] : memref<640xi32, #tpu.memory_space<vmem>> -> memref<128xi32, #tpu.memory_space<vmem>>
      %dma_wait3A_71 = arith.constant 0 : i32
      %dma_wait3A_72 = arith.constant 0 : i32
      %dma_wait3A_73 = tpu.memref_slice %arg2[%dma_wait3A_71, %dma_wait3A_72] : memref<10000x128xf32, #tpu.memory_space<hbm>> -> memref<10000x128xf32, #tpu.memory_space<hbm>>
      tpu.wait_indirect_dma semaphore(%arg7 : memref<!tpu.dma_semaphore, #tpu.memory_space<semaphore_mem>>) src(%dma_wait3A_73 : memref<10000x128xf32, #tpu.memory_space<hbm>>) dst(%dma_wait3A_68 : memref<128x128xf32, #tpu.memory_space<vmem>>)
      %dma_wait3A_74 = arith.constant 384 : i32
      %dma_wait3A_75 = arith.constant 0 : i32
      %dma_wait3A_76 = tpu.memref_slice %arg6[%dma_wait3A_74, %dma_wait3A_75] : memref<640x128xf32, #tpu.memory_space<vmem>> -> memref<128x128xf32, #tpu.memory_space<vmem>>
      %dma_wait3A_77 = arith.constant 384 : i32
      %dma_wait3A_78 = tpu.memref_slice %arg5[%dma_wait3A_77] : memref<640xi32, #tpu.memory_space<vmem>> -> memref<128xi32, #tpu.memory_space<vmem>>
      %dma_wait3A_79 = arith.constant 0 : i32
      %dma_wait3A_80 = arith.constant 0 : i32
      %dma_wait3A_81 = tpu.memref_slice %arg2[%dma_wait3A_79, %dma_wait3A_80] : memref<10000x128xf32, #tpu.memory_space<hbm>> -> memref<10000x128xf32, #tpu.memory_space<hbm>>
      tpu.wait_indirect_dma semaphore(%arg7 : memref<!tpu.dma_semaphore, #tpu.memory_space<semaphore_mem>>) src(%dma_wait3A_81 : memref<10000x128xf32, #tpu.memory_space<hbm>>) dst(%dma_wait3A_76 : memref<128x128xf32, #tpu.memory_space<vmem>>)
      %dma_wait3A_82 = arith.constant 512 : i32
      %dma_wait3A_83 = arith.constant 0 : i32
      %dma_wait3A_84 = tpu.memref_slice %arg6[%dma_wait3A_82, %dma_wait3A_83] : memref<640x128xf32, #tpu.memory_space<vmem>> -> memref<128x128xf32, #tpu.memory_space<vmem>>
      %dma_wait3A_85 = arith.constant 512 : i32
      %dma_wait3A_86 = tpu.memref_slice %arg5[%dma_wait3A_85] : memref<640xi32, #tpu.memory_space<vmem>> -> memref<128xi32, #tpu.memory_space<vmem>>
      %dma_wait3A_87 = arith.constant 0 : i32
      %dma_wait3A_88 = arith.constant 0 : i32
      %dma_wait3A_89 = tpu.memref_slice %arg2[%dma_wait3A_87, %dma_wait3A_88] : memref<10000x128xf32, #tpu.memory_space<hbm>> -> memref<10000x128xf32, #tpu.memory_space<hbm>>
      tpu.wait_indirect_dma semaphore(%arg7 : memref<!tpu.dma_semaphore, #tpu.memory_space<semaphore_mem>>) src(%dma_wait3A_89 : memref<10000x128xf32, #tpu.memory_space<hbm>>) dst(%dma_wait3A_84 : memref<128x128xf32, #tpu.memory_space<vmem>>)
      "tpu.region"() ({
        %run_scoped3A = tpu.sem_alloc : memref<!tpu.dma_semaphore, #tpu.memory_space<semaphore_mem>>
        %dma_start3A_90 = arith.constant 0 : i32
        %dma_start3A_91 = tpu.memref_slice %arg4[%add3A_11, %dma_start3A_90] : memref<327680x128xf32, #tpu.memory_space<hbm>> -> memref<640x128xf32, #tpu.memory_space<hbm>>
        %dma_start3A_92 = arith.constant 0 : i32
        %dma_start3A_93 = tpu.memref_slice %arg4[%add3A_11, %dma_start3A_92] : memref<327680x128xf32, #tpu.memory_space<hbm>> -> memref<640x128xf32, #tpu.memory_space<hbm>>
        tpu.enqueue_dma source(%arg6 : memref<640x128xf32, #tpu.memory_space<vmem>>) target(%dma_start3A_93 : memref<640x128xf32, #tpu.memory_space<hbm>>) target_semaphore(%run_scoped3A : memref<!tpu.dma_semaphore, #tpu.memory_space<semaphore_mem>>)
        %dma_wait3A_94 = arith.constant 0 : i32
        %dma_wait3A_95 = tpu.memref_slice %arg4[%add3A_11, %dma_wait3A_94] : memref<327680x128xf32, #tpu.memory_space<hbm>> -> memref<640x128xf32, #tpu.memory_space<hbm>>
        %dma_wait3A_96 = arith.constant 0 : i32
        %dma_wait3A_97 = tpu.memref_slice %arg4[%add3A_11, %dma_wait3A_96] : memref<327680x128xf32, #tpu.memory_space<hbm>> -> memref<640x128xf32, #tpu.memory_space<hbm>>
        tpu.wait_dma2 semaphore(%run_scoped3A : memref<!tpu.dma_semaphore, #tpu.memory_space<semaphore_mem>>) src(%arg6 : memref<640x128xf32, #tpu.memory_space<vmem>>) dst(%dma_wait3A_97 : memref<640x128xf32, #tpu.memory_space<hbm>>)
        tpu.yield
      }) : () -> ()
    }
    %scan3A_7 = arith.constant 16 : i32
    return
  }
}

#map = affine_map<(d0, d1) -> (0)>
module attributes {stable_mosaic.version = 14 : i64} {
  func.func @build(%arg0: i32, %arg1: i32, %arg2: memref<2048xf32, #tpu.memory_space<hbm>>, %arg3: memref<2048xf32, #tpu.memory_space<hbm>>, %arg4: memref<10000xf32, #tpu.memory_space<hbm>>, %arg5: memref<10000xf32, #tpu.memory_space<hbm>>, %arg6: memref<327680xi32, #tpu.memory_space<hbm>>, %arg7: memref<327680xf32, #tpu.memory_space<hbm>>, %arg8: memref<327680xf32, #tpu.memory_space<hbm>>, %arg9: memref<327680xf32, #tpu.memory_space<hbm>>, %arg10: memref<10000xf32, #tpu.memory_space<vmem>>, %arg11: memref<10000xf32, #tpu.memory_space<vmem>>, %arg12: memref<10000xf32, #tpu.memory_space<vmem>>, %arg13: memref<10000xf32, #tpu.memory_space<vmem>>, %arg14: memref<10000xf32, #tpu.memory_space<vmem>>, %arg15: memref<80xf32, #tpu.memory_space<vmem>>, %arg16: memref<80xf32, #tpu.memory_space<vmem>>, %arg17: memref<80xf32, #tpu.memory_space<vmem>>, %arg18: memref<80xf32, #tpu.memory_space<vmem>>, %arg19: memref<10256xi32, #tpu.memory_space<vmem>>, %arg20: memref<10256xf32, #tpu.memory_space<vmem>>, %arg21: memref<10256xf32, #tpu.memory_space<vmem>>, %arg22: memref<10256xf32, #tpu.memory_space<vmem>>) attributes {dimension_semantics = [#tpu.dimension_semantics<core_parallel>, #tpu.dimension_semantics<subcore_parallel>], iteration_bounds = array<i64: 2, 16>, scalar_prefetch = 0 : i64, scratch_operands = 13 : i64, tpu.core_type = #tpu.core_type<sc_vector_subcore>, window_params = [{transform_indices = #map}, {transform_indices = #map}, {transform_indices = #map}, {transform_indices = #map}, {transform_indices = #map}, {transform_indices = #map}, {transform_indices = #map}, {transform_indices = #map}]} {
    %mul3A = arith.constant 2 : i32
    %mul3A_0 = arith.muli %arg1, %mul3A : i32
    %add3A = arith.addi %mul3A_0, %arg0 : i32
    %mul3A_1 = arith.constant 64 : i32
    %mul3A_2 = arith.muli %add3A, %mul3A_1 : i32
    "tpu.region"() ({
      %run_scoped3A = tpu.sem_alloc : memref<!tpu.dma_semaphore, #tpu.memory_space<semaphore_mem>>
      tpu.enqueue_dma source(%arg4 : memref<10000xf32, #tpu.memory_space<hbm>>) target(%arg10 : memref<10000xf32, #tpu.memory_space<vmem>>) target_semaphore(%run_scoped3A : memref<!tpu.dma_semaphore, #tpu.memory_space<semaphore_mem>>)
      tpu.wait_dma2 semaphore(%run_scoped3A : memref<!tpu.dma_semaphore, #tpu.memory_space<semaphore_mem>>) src(%arg4 : memref<10000xf32, #tpu.memory_space<hbm>>) dst(%arg10 : memref<10000xf32, #tpu.memory_space<vmem>>)
      tpu.yield
    }) : () -> ()
    "tpu.region"() ({
      %run_scoped3A = tpu.sem_alloc : memref<!tpu.dma_semaphore, #tpu.memory_space<semaphore_mem>>
      tpu.enqueue_dma source(%arg5 : memref<10000xf32, #tpu.memory_space<hbm>>) target(%arg11 : memref<10000xf32, #tpu.memory_space<vmem>>) target_semaphore(%run_scoped3A : memref<!tpu.dma_semaphore, #tpu.memory_space<semaphore_mem>>)
      tpu.wait_dma2 semaphore(%run_scoped3A : memref<!tpu.dma_semaphore, #tpu.memory_space<semaphore_mem>>) src(%arg5 : memref<10000xf32, #tpu.memory_space<hbm>>) dst(%arg11 : memref<10000xf32, #tpu.memory_space<vmem>>)
      tpu.yield
    }) : () -> ()
    "tpu.region"() ({
      %run_scoped3A = tpu.sem_alloc : memref<!tpu.dma_semaphore, #tpu.memory_space<semaphore_mem>>
      %dma_start3A = arith.constant 0 : i32
      %dma_start3A_33 = tpu.memref_slice %arg15[%dma_start3A] : memref<80xf32, #tpu.memory_space<vmem>> -> memref<64xf32, #tpu.memory_space<vmem>>
      %dma_start3A_34 = tpu.memref_slice %arg2[%mul3A_2] : memref<2048xf32, #tpu.memory_space<hbm>> -> memref<64xf32, #tpu.memory_space<hbm>>
      %dma_start3A_35 = arith.constant 0 : i32
      %dma_start3A_36 = tpu.memref_slice %arg15[%dma_start3A_35] : memref<80xf32, #tpu.memory_space<vmem>> -> memref<64xf32, #tpu.memory_space<vmem>>
      %dma_start3A_37 = tpu.memref_slice %arg2[%mul3A_2] : memref<2048xf32, #tpu.memory_space<hbm>> -> memref<64xf32, #tpu.memory_space<hbm>>
      tpu.enqueue_dma source(%dma_start3A_37 : memref<64xf32, #tpu.memory_space<hbm>>) target(%dma_start3A_36 : memref<64xf32, #tpu.memory_space<vmem>>) target_semaphore(%run_scoped3A : memref<!tpu.dma_semaphore, #tpu.memory_space<semaphore_mem>>)
      %dma_wait3A = arith.constant 0 : i32
      %dma_wait3A_38 = tpu.memref_slice %arg15[%dma_wait3A] : memref<80xf32, #tpu.memory_space<vmem>> -> memref<64xf32, #tpu.memory_space<vmem>>
      %dma_wait3A_39 = tpu.memref_slice %arg2[%mul3A_2] : memref<2048xf32, #tpu.memory_space<hbm>> -> memref<64xf32, #tpu.memory_space<hbm>>
      %dma_wait3A_40 = arith.constant 0 : i32
      %dma_wait3A_41 = tpu.memref_slice %arg15[%dma_wait3A_40] : memref<80xf32, #tpu.memory_space<vmem>> -> memref<64xf32, #tpu.memory_space<vmem>>
      %dma_wait3A_42 = tpu.memref_slice %arg2[%mul3A_2] : memref<2048xf32, #tpu.memory_space<hbm>> -> memref<64xf32, #tpu.memory_space<hbm>>
      tpu.wait_dma2 semaphore(%run_scoped3A : memref<!tpu.dma_semaphore, #tpu.memory_space<semaphore_mem>>) src(%dma_wait3A_42 : memref<64xf32, #tpu.memory_space<hbm>>) dst(%dma_wait3A_41 : memref<64xf32, #tpu.memory_space<vmem>>)
      tpu.yield
    }) : () -> ()
    "tpu.region"() ({
      %run_scoped3A = tpu.sem_alloc : memref<!tpu.dma_semaphore, #tpu.memory_space<semaphore_mem>>
      %dma_start3A = arith.constant 0 : i32
      %dma_start3A_33 = tpu.memref_slice %arg16[%dma_start3A] : memref<80xf32, #tpu.memory_space<vmem>> -> memref<64xf32, #tpu.memory_space<vmem>>
      %dma_start3A_34 = tpu.memref_slice %arg3[%mul3A_2] : memref<2048xf32, #tpu.memory_space<hbm>> -> memref<64xf32, #tpu.memory_space<hbm>>
      %dma_start3A_35 = arith.constant 0 : i32
      %dma_start3A_36 = tpu.memref_slice %arg16[%dma_start3A_35] : memref<80xf32, #tpu.memory_space<vmem>> -> memref<64xf32, #tpu.memory_space<vmem>>
      %dma_start3A_37 = tpu.memref_slice %arg3[%mul3A_2] : memref<2048xf32, #tpu.memory_space<hbm>> -> memref<64xf32, #tpu.memory_space<hbm>>
      tpu.enqueue_dma source(%dma_start3A_37 : memref<64xf32, #tpu.memory_space<hbm>>) target(%dma_start3A_36 : memref<64xf32, #tpu.memory_space<vmem>>) target_semaphore(%run_scoped3A : memref<!tpu.dma_semaphore, #tpu.memory_space<semaphore_mem>>)
      %dma_wait3A = arith.constant 0 : i32
      %dma_wait3A_38 = tpu.memref_slice %arg16[%dma_wait3A] : memref<80xf32, #tpu.memory_space<vmem>> -> memref<64xf32, #tpu.memory_space<vmem>>
      %dma_wait3A_39 = tpu.memref_slice %arg3[%mul3A_2] : memref<2048xf32, #tpu.memory_space<hbm>> -> memref<64xf32, #tpu.memory_space<hbm>>
      %dma_wait3A_40 = arith.constant 0 : i32
      %dma_wait3A_41 = tpu.memref_slice %arg16[%dma_wait3A_40] : memref<80xf32, #tpu.memory_space<vmem>> -> memref<64xf32, #tpu.memory_space<vmem>>
      %dma_wait3A_42 = tpu.memref_slice %arg3[%mul3A_2] : memref<2048xf32, #tpu.memory_space<hbm>> -> memref<64xf32, #tpu.memory_space<hbm>>
      tpu.wait_dma2 semaphore(%run_scoped3A : memref<!tpu.dma_semaphore, #tpu.memory_space<semaphore_mem>>) src(%dma_wait3A_42 : memref<64xf32, #tpu.memory_space<hbm>>) dst(%dma_wait3A_41 : memref<64xf32, #tpu.memory_space<vmem>>)
      tpu.yield
    }) : () -> ()
    %scan3A = arith.constant 0 : i32
    %scan3A_3 = arith.constant 0 : i32
    %scan3A_4 = arith.constant 625 : i32
    %scan3A_5 = arith.addi %scan3A_3, %scan3A_4 : i32
    %scan3A_6 = arith.constant 1 : i32
    scf.for %scan3A_33 = %scan3A_3 to %scan3A_5 step %scan3A_6  : i32 {
      %mul3A_34 = arith.constant 16 : i32
      %mul3A_35 = arith.muli %scan3A_33, %mul3A_34 : i32
      %get3A = arith.index_cast %mul3A_35 : i32 to index
      %get3A_36 = tpu.vector_load %arg10[%get3A] {strides = array<i32>} : memref<10000xf32, #tpu.memory_space<vmem>>, vector<16xf32>,
      %get3A_37 = arith.index_cast %mul3A_35 : i32 to index
      %get3A_38 = tpu.vector_load %arg11[%get3A_37] {strides = array<i32>} : memref<10000xf32, #tpu.memory_space<vmem>>, vector<16xf32>,
      %mul3A_39 = arith.mulf %get3A_36, %get3A_36 : vector<16xf32>
      %mul3A_40 = arith.mulf %get3A_38, %get3A_38 : vector<16xf32>
      %add3A_41 = arith.addf %mul3A_39, %mul3A_40 : vector<16xf32>
      %swap3A = arith.index_cast %mul3A_35 : i32 to index
      %swap3A_42 = tpu.vector_load %arg12[%swap3A] {strides = array<i32>} : memref<10000xf32, #tpu.memory_space<vmem>>, vector<16xf32>,
      tpu.vector_store %arg12[%swap3A], %add3A_41 {strides = array<i32>} : memref<10000xf32, #tpu.memory_space<vmem>>, vector<16xf32>,
      %bitcast3A = vector.bitcast %get3A_36 : vector<16xf32> to vector<16xi32>
      %add3A_43 = arith.constant 32767 : i32
      %add3A_44 = vector.broadcast %add3A_43 : i32 to vector<16xi32>
      %add3A_45 = arith.addi %bitcast3A, %add3A_44 : vector<16xi32>
      %shift_right_arithmetic3A = arith.constant 16 : i32
      %shift_right_arithmetic3A_46 = vector.broadcast %shift_right_arithmetic3A : i32 to vector<16xi32>
      %shift_right_arithmetic3A_47 = arith.shrsi %bitcast3A, %shift_right_arithmetic3A_46 : vector<16xi32>
      %and3A = arith.constant 1 : i32
      %and3A_48 = vector.broadcast %and3A : i32 to vector<16xi32>
      %and3A_49 = arith.andi %shift_right_arithmetic3A_47, %and3A_48 : vector<16xi32>
      %add3A_50 = arith.addi %add3A_45, %and3A_49 : vector<16xi32>
      %and3A_51 = arith.constant -65536 : i32
      %and3A_52 = vector.broadcast %and3A_51 : i32 to vector<16xi32>
      %and3A_53 = arith.andi %add3A_50, %and3A_52 : vector<16xi32>
      %bitcast3A_54 = vector.bitcast %and3A_53 : vector<16xi32> to vector<16xf32>
      %swap3A_55 = arith.index_cast %mul3A_35 : i32 to index
      %swap3A_56 = tpu.vector_load %arg13[%swap3A_55] {strides = array<i32>} : memref<10000xf32, #tpu.memory_space<vmem>>, vector<16xf32>,
      tpu.vector_store %arg13[%swap3A_55], %bitcast3A_54 {strides = array<i32>} : memref<10000xf32, #tpu.memory_space<vmem>>, vector<16xf32>,
      %bitcast3A_57 = vector.bitcast %get3A_38 : vector<16xf32> to vector<16xi32>
      %add3A_58 = arith.constant 32767 : i32
      %add3A_59 = vector.broadcast %add3A_58 : i32 to vector<16xi32>
      %add3A_60 = arith.addi %bitcast3A_57, %add3A_59 : vector<16xi32>
      %shift_right_arithmetic3A_61 = arith.constant 16 : i32
      %shift_right_arithmetic3A_62 = vector.broadcast %shift_right_arithmetic3A_61 : i32 to vector<16xi32>
      %shift_right_arithmetic3A_63 = arith.shrsi %bitcast3A_57, %shift_right_arithmetic3A_62 : vector<16xi32>
      %and3A_64 = arith.constant 1 : i32
      %and3A_65 = vector.broadcast %and3A_64 : i32 to vector<16xi32>
      %and3A_66 = arith.andi %shift_right_arithmetic3A_63, %and3A_65 : vector<16xi32>
      %add3A_67 = arith.addi %add3A_60, %and3A_66 : vector<16xi32>
      %and3A_68 = arith.constant -65536 : i32
      %and3A_69 = vector.broadcast %and3A_68 : i32 to vector<16xi32>
      %and3A_70 = arith.andi %add3A_67, %and3A_69 : vector<16xi32>
      %bitcast3A_71 = vector.bitcast %and3A_70 : vector<16xi32> to vector<16xf32>
      %swap3A_72 = arith.index_cast %mul3A_35 : i32 to index
      %swap3A_73 = tpu.vector_load %arg14[%swap3A_72] {strides = array<i32>} : memref<10000xf32, #tpu.memory_space<vmem>>, vector<16xf32>,
      tpu.vector_store %arg14[%swap3A_72], %bitcast3A_71 {strides = array<i32>} : memref<10000xf32, #tpu.memory_space<vmem>>, vector<16xf32>,
    }
    %scan3A_7 = arith.constant 625 : i32
    %scan3A_8 = arith.constant 0 : i32
    %scan3A_9 = arith.constant 0 : i32
    %scan3A_10 = arith.constant 4 : i32
    %scan3A_11 = arith.addi %scan3A_9, %scan3A_10 : i32
    %scan3A_12 = arith.constant 1 : i32
    scf.for %scan3A_33 = %scan3A_9 to %scan3A_11 step %scan3A_12  : i32 {
      %mul3A_34 = arith.constant 16 : i32
      %mul3A_35 = arith.muli %scan3A_33, %mul3A_34 : i32
      %get3A = arith.index_cast %mul3A_35 : i32 to index
      %get3A_36 = tpu.vector_load %arg15[%get3A] {strides = array<i32>} : memref<80xf32, #tpu.memory_space<vmem>>, vector<16xf32>,
      %bitcast3A = vector.bitcast %get3A_36 : vector<16xf32> to vector<16xi32>
      %add3A_37 = arith.constant 32767 : i32
      %add3A_38 = vector.broadcast %add3A_37 : i32 to vector<16xi32>
      %add3A_39 = arith.addi %bitcast3A, %add3A_38 : vector<16xi32>
      %shift_right_arithmetic3A = arith.constant 16 : i32
      %shift_right_arithmetic3A_40 = vector.broadcast %shift_right_arithmetic3A : i32 to vector<16xi32>
      %shift_right_arithmetic3A_41 = arith.shrsi %bitcast3A, %shift_right_arithmetic3A_40 : vector<16xi32>
      %and3A = arith.constant 1 : i32
      %and3A_42 = vector.broadcast %and3A : i32 to vector<16xi32>
      %and3A_43 = arith.andi %shift_right_arithmetic3A_41, %and3A_42 : vector<16xi32>
      %add3A_44 = arith.addi %add3A_39, %and3A_43 : vector<16xi32>
      %and3A_45 = arith.constant -65536 : i32
      %and3A_46 = vector.broadcast %and3A_45 : i32 to vector<16xi32>
      %and3A_47 = arith.andi %add3A_44, %and3A_46 : vector<16xi32>
      %bitcast3A_48 = vector.bitcast %and3A_47 : vector<16xi32> to vector<16xf32>
      %swap3A = arith.index_cast %mul3A_35 : i32 to index
      %swap3A_49 = tpu.vector_load %arg17[%swap3A] {strides = array<i32>} : memref<80xf32, #tpu.memory_space<vmem>>, vector<16xf32>,
      tpu.vector_store %arg17[%swap3A], %bitcast3A_48 {strides = array<i32>} : memref<80xf32, #tpu.memory_space<vmem>>, vector<16xf32>,
      %get3A_50 = arith.index_cast %mul3A_35 : i32 to index
      %get3A_51 = tpu.vector_load %arg16[%get3A_50] {strides = array<i32>} : memref<80xf32, #tpu.memory_space<vmem>>, vector<16xf32>,
      %bitcast3A_52 = vector.bitcast %get3A_51 : vector<16xf32> to vector<16xi32>
      %add3A_53 = arith.constant 32767 : i32
      %add3A_54 = vector.broadcast %add3A_53 : i32 to vector<16xi32>
      %add3A_55 = arith.addi %bitcast3A_52, %add3A_54 : vector<16xi32>
      %shift_right_arithmetic3A_56 = arith.constant 16 : i32
      %shift_right_arithmetic3A_57 = vector.broadcast %shift_right_arithmetic3A_56 : i32 to vector<16xi32>
      %shift_right_arithmetic3A_58 = arith.shrsi %bitcast3A_52, %shift_right_arithmetic3A_57 : vector<16xi32>
      %and3A_59 = arith.constant 1 : i32
      %and3A_60 = vector.broadcast %and3A_59 : i32 to vector<16xi32>
      %and3A_61 = arith.andi %shift_right_arithmetic3A_58, %and3A_60 : vector<16xi32>
      %add3A_62 = arith.addi %add3A_55, %and3A_61 : vector<16xi32>
      %and3A_63 = arith.constant -65536 : i32
      %and3A_64 = vector.broadcast %and3A_63 : i32 to vector<16xi32>
      %and3A_65 = arith.andi %add3A_62, %and3A_64 : vector<16xi32>
      %bitcast3A_66 = vector.bitcast %and3A_65 : vector<16xi32> to vector<16xf32>
      %swap3A_67 = arith.index_cast %mul3A_35 : i32 to index
      %swap3A_68 = tpu.vector_load %arg18[%swap3A_67] {strides = array<i32>} : memref<80xf32, #tpu.memory_space<vmem>>, vector<16xf32>,
      tpu.vector_store %arg18[%swap3A_67], %bitcast3A_66 {strides = array<i32>} : memref<80xf32, #tpu.memory_space<vmem>>, vector<16xf32>,
    }
    %scan3A_13 = arith.constant 4 : i32
    %broadcast_in_dim3A = arith.constant 0 : i32
    %broadcast_in_dim3A_14 = vector.broadcast %broadcast_in_dim3A : i32 to vector<16xi32>
    %broadcast_in_dim3A_15 = arith.constant 0.000000e+00 : f32
    %broadcast_in_dim3A_16 = vector.broadcast %broadcast_in_dim3A_15 : f32 to vector<16xf32>
    %scan3A_17 = arith.constant 0 : i32
    %scan3A_18 = arith.constant 0 : i32
    %scan3A_19 = arith.constant 641 : i32
    %scan3A_20 = arith.addi %scan3A_18, %scan3A_19 : i32
    %scan3A_21 = arith.constant 1 : i32
    scf.for %scan3A_33 = %scan3A_18 to %scan3A_20 step %scan3A_21  : i32 {
      %mul3A_34 = arith.constant 16 : i32
      %mul3A_35 = arith.muli %scan3A_33, %mul3A_34 : i32
      %swap3A = arith.index_cast %mul3A_35 : i32 to index
      %swap3A_36 = tpu.vector_load %arg19[%swap3A] {strides = array<i32>} : memref<10256xi32, #tpu.memory_space<vmem>>, vector<16xi32>,
      tpu.vector_store %arg19[%swap3A], %broadcast_in_dim3A_14 {strides = array<i32>} : memref<10256xi32, #tpu.memory_space<vmem>>, vector<16xi32>,
      %swap3A_37 = arith.index_cast %mul3A_35 : i32 to index
      %swap3A_38 = tpu.vector_load %arg20[%swap3A_37] {strides = array<i32>} : memref<10256xf32, #tpu.memory_space<vmem>>, vector<16xf32>,
      tpu.vector_store %arg20[%swap3A_37], %broadcast_in_dim3A_16 {strides = array<i32>} : memref<10256xf32, #tpu.memory_space<vmem>>, vector<16xf32>,
      %swap3A_39 = arith.index_cast %mul3A_35 : i32 to index
      %swap3A_40 = tpu.vector_load %arg21[%swap3A_39] {strides = array<i32>} : memref<10256xf32, #tpu.memory_space<vmem>>, vector<16xf32>,
      tpu.vector_store %arg21[%swap3A_39], %broadcast_in_dim3A_16 {strides = array<i32>} : memref<10256xf32, #tpu.memory_space<vmem>>, vector<16xf32>,
      %swap3A_41 = arith.index_cast %mul3A_35 : i32 to index
      %swap3A_42 = tpu.vector_load %arg22[%swap3A_41] {strides = array<i32>} : memref<10256xf32, #tpu.memory_space<vmem>>, vector<16xf32>,
      tpu.vector_store %arg22[%swap3A_41], %broadcast_in_dim3A_16 {strides = array<i32>} : memref<10256xf32, #tpu.memory_space<vmem>>, vector<16xf32>,
    }
    %scan3A_22 = arith.constant 641 : i32
    %broadcast_in_dim3A_23 = arith.constant 1.000000e+00 : f32
    %broadcast_in_dim3A_24 = vector.broadcast %broadcast_in_dim3A_23 : f32 to vector<16xf32>
    %scan3A_25 = arith.constant 0 : i32
    %scan3A_26 = arith.constant 0 : i32
    %scan3A_27 = arith.constant 64 : i32
    %scan3A_28 = arith.addi %scan3A_26, %scan3A_27 : i32
    %scan3A_29 = arith.constant 1 : i32
    scf.for %scan3A_33 = %scan3A_26 to %scan3A_28 step %scan3A_29  : i32 {
      %get3A = arith.index_cast %scan3A_33 : i32 to index
      %get3A_34 = tpu.vector_load %arg15[%get3A] {strides = array<i32>} : memref<80xf32, #tpu.memory_space<vmem>>, vector<16xf32>,
      %slice3A = vector.extract_strided_slice %get3A_34 {offsets = [0], sizes = [1], strides = [1]} : vector<16xf32> to vector<1xf32>
      %squeeze3A = vector.extract %slice3A[0] : f32 from vector<1xf32>
      %get3A_35 = arith.index_cast %scan3A_33 : i32 to index
      %get3A_36 = tpu.vector_load %arg16[%get3A_35] {strides = array<i32>} : memref<80xf32, #tpu.memory_space<vmem>>, vector<16xf32>,
      %slice3A_37 = vector.extract_strided_slice %get3A_36 {offsets = [0], sizes = [1], strides = [1]} : vector<16xf32> to vector<1xf32>
      %squeeze3A_38 = vector.extract %slice3A_37[0] : f32 from vector<1xf32>
      %get3A_39 = arith.index_cast %scan3A_33 : i32 to index
      %get3A_40 = tpu.vector_load %arg17[%get3A_39] {strides = array<i32>} : memref<80xf32, #tpu.memory_space<vmem>>, vector<16xf32>,
      %slice3A_41 = vector.extract_strided_slice %get3A_40 {offsets = [0], sizes = [1], strides = [1]} : vector<16xf32> to vector<1xf32>
      %squeeze3A_42 = vector.extract %slice3A_41[0] : f32 from vector<1xf32>
      %get3A_43 = arith.index_cast %scan3A_33 : i32 to index
      %get3A_44 = tpu.vector_load %arg18[%get3A_43] {strides = array<i32>} : memref<80xf32, #tpu.memory_space<vmem>>, vector<16xf32>,
      %slice3A_45 = vector.extract_strided_slice %get3A_44 {offsets = [0], sizes = [1], strides = [1]} : vector<16xf32> to vector<1xf32>
      %squeeze3A_46 = vector.extract %slice3A_45[0] : f32 from vector<1xf32>
      %mul3A_47 = arith.mulf %squeeze3A, %squeeze3A : f32
      %mul3A_48 = arith.mulf %squeeze3A_38, %squeeze3A_38 : f32
      %add3A_49 = arith.addf %mul3A_47, %mul3A_48 : f32
      %mul3A_50 = arith.constant 160 : i32
      %mul3A_51 = arith.muli %scan3A_33, %mul3A_50 : i32
      %scan3A_52 = arith.constant 0 : i32
      %scan3A_53 = arith.constant 0 : i32
      %scan3A_54 = arith.constant 625 : i32
      %scan3A_55 = arith.addi %scan3A_53, %scan3A_54 : i32
      %scan3A_56 = arith.constant 1 : i32
      %scan3A_57 = scf.for %scan3A_59 = %scan3A_53 to %scan3A_55 step %scan3A_56 iter_args(%scan3A_60 = %scan3A_52) -> (i32)  : i32 {
        %mul3A_61 = arith.constant 16 : i32
        %mul3A_62 = arith.muli %scan3A_59, %mul3A_61 : i32
        %get3A_63 = arith.index_cast %mul3A_62 : i32 to index
        %get3A_64 = tpu.vector_load %arg10[%get3A_63] {strides = array<i32>} : memref<10000xf32, #tpu.memory_space<vmem>>, vector<16xf32>,
        %get3A_65 = arith.index_cast %mul3A_62 : i32 to index
        %get3A_66 = tpu.vector_load %arg11[%get3A_65] {strides = array<i32>} : memref<10000xf32, #tpu.memory_space<vmem>>, vector<16xf32>,
        %sub3A = vector.broadcast %squeeze3A : f32 to vector<16xf32>
        %sub3A_67 = arith.subf %sub3A, %get3A_64 : vector<16xf32>
        %sub3A_68 = vector.broadcast %squeeze3A_38 : f32 to vector<16xf32>
        %sub3A_69 = arith.subf %sub3A_68, %get3A_66 : vector<16xf32>
        %get3A_70 = arith.index_cast %mul3A_62 : i32 to index
        %get3A_71 = tpu.vector_load %arg13[%get3A_70] {strides = array<i32>} : memref<10000xf32, #tpu.memory_space<vmem>>, vector<16xf32>,
        %mul3A_72 = vector.broadcast %squeeze3A_42 : f32 to vector<16xf32>
        %mul3A_73 = arith.mulf %mul3A_72, %get3A_71 : vector<16xf32>
        %get3A_74 = arith.index_cast %mul3A_62 : i32 to index
        %get3A_75 = tpu.vector_load %arg14[%get3A_74] {strides = array<i32>} : memref<10000xf32, #tpu.memory_space<vmem>>, vector<16xf32>,
        %mul3A_76 = vector.broadcast %squeeze3A_46 : f32 to vector<16xf32>
        %mul3A_77 = arith.mulf %mul3A_76, %get3A_75 : vector<16xf32>
        %add3A_78 = arith.addf %mul3A_73, %mul3A_77 : vector<16xf32>
        %get3A_79 = arith.index_cast %mul3A_62 : i32 to index
        %get3A_80 = tpu.vector_load %arg12[%get3A_79] {strides = array<i32>} : memref<10000xf32, #tpu.memory_space<vmem>>, vector<16xf32>,
        %add3A_81 = vector.broadcast %add3A_49 : f32 to vector<16xf32>
        %add3A_82 = arith.addf %add3A_81, %get3A_80 : vector<16xf32>
        %mul3A_83 = arith.constant 2.000000e+00 : f32
        %mul3A_84 = vector.broadcast %mul3A_83 : f32 to vector<16xf32>
        %mul3A_85 = arith.mulf %mul3A_84, %add3A_78 : vector<16xf32>
        %sub3A_86 = arith.subf %add3A_82, %mul3A_85 : vector<16xf32>
        %le3A = arith.constant 2.500000e-03 : f32
        %le3A_87 = vector.broadcast %le3A : f32 to vector<16xf32>
        %le3A_88 = arith.cmpf ole, %sub3A_86, %le3A_87 : vector<16xf32>
        %mul3A_89 = arith.constant 16 : i32
        %mul3A_90 = arith.muli %scan3A_59, %mul3A_89 : i32
        %iota3A = tpu.iota {dimensions = array<i32: 0>} : vector<16xi32>
        %add3A_91 = vector.broadcast %mul3A_90 : i32 to vector<16xi32>
        %add3A_92 = arith.addi %add3A_91, %iota3A : vector<16xi32>
        %add3A_93 = arith.addi %mul3A_51, %scan3A_60 : i32
        %swap3A = arith.index_cast %add3A_93 : i32 to index
        %swap3A_94 = tpu.vector_load %arg19[%swap3A] masked %le3A_88 {strides = array<i32>} : memref<10256xi32, #tpu.memory_space<vmem>>, vector<16xi32>, vector<16xi1>
        tpu.vector_store %arg19[%swap3A], %add3A_92 masked %le3A_88 {strides = array<i32>} : memref<10256xi32, #tpu.memory_space<vmem>>, vector<16xi32>, vector<16xi1>
        %swap3A_95 = arith.index_cast %add3A_93 : i32 to index
        %swap3A_96 = tpu.vector_load %arg20[%swap3A_95] masked %le3A_88 {strides = array<i32>} : memref<10256xf32, #tpu.memory_space<vmem>>, vector<16xf32>, vector<16xi1>
        tpu.vector_store %arg20[%swap3A_95], %sub3A_67 masked %le3A_88 {strides = array<i32>} : memref<10256xf32, #tpu.memory_space<vmem>>, vector<16xf32>, vector<16xi1>
        %swap3A_97 = arith.index_cast %add3A_93 : i32 to index
        %swap3A_98 = tpu.vector_load %arg21[%swap3A_97] masked %le3A_88 {strides = array<i32>} : memref<10256xf32, #tpu.memory_space<vmem>>, vector<16xf32>, vector<16xi1>
        tpu.vector_store %arg21[%swap3A_97], %sub3A_69 masked %le3A_88 {strides = array<i32>} : memref<10256xf32, #tpu.memory_space<vmem>>, vector<16xf32>, vector<16xi1>
        %swap3A_99 = arith.index_cast %add3A_93 : i32 to index
        %swap3A_100 = tpu.vector_load %arg22[%swap3A_99] masked %le3A_88 {strides = array<i32>} : memref<10256xf32, #tpu.memory_space<vmem>>, vector<16xf32>, vector<16xi1>
        tpu.vector_store %arg22[%swap3A_99], %broadcast_in_dim3A_24 masked %le3A_88 {strides = array<i32>} : memref<10256xf32, #tpu.memory_space<vmem>>, vector<16xf32>, vector<16xi1>
        %all_reduce_population_count3A = tpu.all_reduce %le3A_88 {dim = 0 : i64, kind = #tpu.reduction_kind<sum>} : vector<16xi1> -> vector<16xi32>
        %slice3A_101 = vector.extract_strided_slice %all_reduce_population_count3A {offsets = [0], sizes = [1], strides = [1]} : vector<16xi32> to vector<1xi32>
        %squeeze3A_102 = vector.extract %slice3A_101[0] : i32 from vector<1xi32>
        %add3A_103 = arith.addi %scan3A_60, %squeeze3A_102 : i32
        %min3A = arith.constant 160 : i32
        %min3A_104 = arith.minsi %add3A_103, %min3A : i32
        scf.yield %min3A_104 : i32
      }
      %scan3A_58 = arith.constant 625 : i32
    }
    %scan3A_30 = arith.constant 64 : i32
    %mul3A_31 = arith.constant 160 : i32
    %mul3A_32 = arith.muli %mul3A_2, %mul3A_31 : i32
    "tpu.region"() ({
      %run_scoped3A = tpu.sem_alloc : memref<!tpu.dma_semaphore, #tpu.memory_space<semaphore_mem>>
      %dma_start3A = arith.constant 0 : i32
      %dma_start3A_33 = tpu.memref_slice %arg19[%dma_start3A] : memref<10256xi32, #tpu.memory_space<vmem>> -> memref<10240xi32, #tpu.memory_space<vmem>>
      %dma_start3A_34 = tpu.memref_slice %arg6[%mul3A_32] : memref<327680xi32, #tpu.memory_space<hbm>> -> memref<10240xi32, #tpu.memory_space<hbm>>
      %dma_start3A_35 = tpu.memref_slice %arg6[%mul3A_32] : memref<327680xi32, #tpu.memory_space<hbm>> -> memref<10240xi32, #tpu.memory_space<hbm>>
      %dma_start3A_36 = arith.constant 0 : i32
      %dma_start3A_37 = tpu.memref_slice %arg19[%dma_start3A_36] : memref<10256xi32, #tpu.memory_space<vmem>> -> memref<10240xi32, #tpu.memory_space<vmem>>
      tpu.enqueue_dma source(%dma_start3A_37 : memref<10240xi32, #tpu.memory_space<vmem>>) target(%dma_start3A_35 : memref<10240xi32, #tpu.memory_space<hbm>>) target_semaphore(%run_scoped3A : memref<!tpu.dma_semaphore, #tpu.memory_space<semaphore_mem>>)
      %dma_wait3A = arith.constant 0 : i32
      %dma_wait3A_38 = tpu.memref_slice %arg19[%dma_wait3A] : memref<10256xi32, #tpu.memory_space<vmem>> -> memref<10240xi32, #tpu.memory_space<vmem>>
      %dma_wait3A_39 = tpu.memref_slice %arg6[%mul3A_32] : memref<327680xi32, #tpu.memory_space<hbm>> -> memref<10240xi32, #tpu.memory_space<hbm>>
      %dma_wait3A_40 = tpu.memref_slice %arg6[%mul3A_32] : memref<327680xi32, #tpu.memory_space<hbm>> -> memref<10240xi32, #tpu.memory_space<hbm>>
      %dma_wait3A_41 = arith.constant 0 : i32
      %dma_wait3A_42 = tpu.memref_slice %arg19[%dma_wait3A_41] : memref<10256xi32, #tpu.memory_space<vmem>> -> memref<10240xi32, #tpu.memory_space<vmem>>
      tpu.wait_dma2 semaphore(%run_scoped3A : memref<!tpu.dma_semaphore, #tpu.memory_space<semaphore_mem>>) src(%dma_wait3A_42 : memref<10240xi32, #tpu.memory_space<vmem>>) dst(%dma_wait3A_40 : memref<10240xi32, #tpu.memory_space<hbm>>)
      tpu.yield
    }) : () -> ()
    "tpu.region"() ({
      %run_scoped3A = tpu.sem_alloc : memref<!tpu.dma_semaphore, #tpu.memory_space<semaphore_mem>>
      %dma_start3A = arith.constant 0 : i32
      %dma_start3A_33 = tpu.memref_slice %arg20[%dma_start3A] : memref<10256xf32, #tpu.memory_space<vmem>> -> memref<10240xf32, #tpu.memory_space<vmem>>
      %dma_start3A_34 = tpu.memref_slice %arg7[%mul3A_32] : memref<327680xf32, #tpu.memory_space<hbm>> -> memref<10240xf32, #tpu.memory_space<hbm>>
      %dma_start3A_35 = tpu.memref_slice %arg7[%mul3A_32] : memref<327680xf32, #tpu.memory_space<hbm>> -> memref<10240xf32, #tpu.memory_space<hbm>>
      %dma_start3A_36 = arith.constant 0 : i32
      %dma_start3A_37 = tpu.memref_slice %arg20[%dma_start3A_36] : memref<10256xf32, #tpu.memory_space<vmem>> -> memref<10240xf32, #tpu.memory_space<vmem>>
      tpu.enqueue_dma source(%dma_start3A_37 : memref<10240xf32, #tpu.memory_space<vmem>>) target(%dma_start3A_35 : memref<10240xf32, #tpu.memory_space<hbm>>) target_semaphore(%run_scoped3A : memref<!tpu.dma_semaphore, #tpu.memory_space<semaphore_mem>>)
      %dma_wait3A = arith.constant 0 : i32
      %dma_wait3A_38 = tpu.memref_slice %arg20[%dma_wait3A] : memref<10256xf32, #tpu.memory_space<vmem>> -> memref<10240xf32, #tpu.memory_space<vmem>>
      %dma_wait3A_39 = tpu.memref_slice %arg7[%mul3A_32] : memref<327680xf32, #tpu.memory_space<hbm>> -> memref<10240xf32, #tpu.memory_space<hbm>>
      %dma_wait3A_40 = tpu.memref_slice %arg7[%mul3A_32] : memref<327680xf32, #tpu.memory_space<hbm>> -> memref<10240xf32, #tpu.memory_space<hbm>>
      %dma_wait3A_41 = arith.constant 0 : i32
      %dma_wait3A_42 = tpu.memref_slice %arg20[%dma_wait3A_41] : memref<10256xf32, #tpu.memory_space<vmem>> -> memref<10240xf32, #tpu.memory_space<vmem>>
      tpu.wait_dma2 semaphore(%run_scoped3A : memref<!tpu.dma_semaphore, #tpu.memory_space<semaphore_mem>>) src(%dma_wait3A_42 : memref<10240xf32, #tpu.memory_space<vmem>>) dst(%dma_wait3A_40 : memref<10240xf32, #tpu.memory_space<hbm>>)
      tpu.yield
    }) : () -> ()
    "tpu.region"() ({
      %run_scoped3A = tpu.sem_alloc : memref<!tpu.dma_semaphore, #tpu.memory_space<semaphore_mem>>
      %dma_start3A = arith.constant 0 : i32
      %dma_start3A_33 = tpu.memref_slice %arg21[%dma_start3A] : memref<10256xf32, #tpu.memory_space<vmem>> -> memref<10240xf32, #tpu.memory_space<vmem>>
      %dma_start3A_34 = tpu.memref_slice %arg8[%mul3A_32] : memref<327680xf32, #tpu.memory_space<hbm>> -> memref<10240xf32, #tpu.memory_space<hbm>>
      %dma_start3A_35 = tpu.memref_slice %arg8[%mul3A_32] : memref<327680xf32, #tpu.memory_space<hbm>> -> memref<10240xf32, #tpu.memory_space<hbm>>
      %dma_start3A_36 = arith.constant 0 : i32
      %dma_start3A_37 = tpu.memref_slice %arg21[%dma_start3A_36] : memref<10256xf32, #tpu.memory_space<vmem>> -> memref<10240xf32, #tpu.memory_space<vmem>>
      tpu.enqueue_dma source(%dma_start3A_37 : memref<10240xf32, #tpu.memory_space<vmem>>) target(%dma_start3A_35 : memref<10240xf32, #tpu.memory_space<hbm>>) target_semaphore(%run_scoped3A : memref<!tpu.dma_semaphore, #tpu.memory_space<semaphore_mem>>)
      %dma_wait3A = arith.constant 0 : i32
      %dma_wait3A_38 = tpu.memref_slice %arg21[%dma_wait3A] : memref<10256xf32, #tpu.memory_space<vmem>> -> memref<10240xf32, #tpu.memory_space<vmem>>
      %dma_wait3A_39 = tpu.memref_slice %arg8[%mul3A_32] : memref<327680xf32, #tpu.memory_space<hbm>> -> memref<10240xf32, #tpu.memory_space<hbm>>
      %dma_wait3A_40 = tpu.memref_slice %arg8[%mul3A_32] : memref<327680xf32, #tpu.memory_space<hbm>> -> memref<10240xf32, #tpu.memory_space<hbm>>
      %dma_wait3A_41 = arith.constant 0 : i32
      %dma_wait3A_42 = tpu.memref_slice %arg21[%dma_wait3A_41] : memref<10256xf32, #tpu.memory_space<vmem>> -> memref<10240xf32, #tpu.memory_space<vmem>>
      tpu.wait_dma2 semaphore(%run_scoped3A : memref<!tpu.dma_semaphore, #tpu.memory_space<semaphore_mem>>) src(%dma_wait3A_42 : memref<10240xf32, #tpu.memory_space<vmem>>) dst(%dma_wait3A_40 : memref<10240xf32, #tpu.memory_space<hbm>>)
      tpu.yield
    }) : () -> ()
    "tpu.region"() ({
      %run_scoped3A = tpu.sem_alloc : memref<!tpu.dma_semaphore, #tpu.memory_space<semaphore_mem>>
      %dma_start3A = arith.constant 0 : i32
      %dma_start3A_33 = tpu.memref_slice %arg22[%dma_start3A] : memref<10256xf32, #tpu.memory_space<vmem>> -> memref<10240xf32, #tpu.memory_space<vmem>>
      %dma_start3A_34 = tpu.memref_slice %arg9[%mul3A_32] : memref<327680xf32, #tpu.memory_space<hbm>> -> memref<10240xf32, #tpu.memory_space<hbm>>
      %dma_start3A_35 = tpu.memref_slice %arg9[%mul3A_32] : memref<327680xf32, #tpu.memory_space<hbm>> -> memref<10240xf32, #tpu.memory_space<hbm>>
      %dma_start3A_36 = arith.constant 0 : i32
      %dma_start3A_37 = tpu.memref_slice %arg22[%dma_start3A_36] : memref<10256xf32, #tpu.memory_space<vmem>> -> memref<10240xf32, #tpu.memory_space<vmem>>
      tpu.enqueue_dma source(%dma_start3A_37 : memref<10240xf32, #tpu.memory_space<vmem>>) target(%dma_start3A_35 : memref<10240xf32, #tpu.memory_space<hbm>>) target_semaphore(%run_scoped3A : memref<!tpu.dma_semaphore, #tpu.memory_space<semaphore_mem>>)
      %dma_wait3A = arith.constant 0 : i32
      %dma_wait3A_38 = tpu.memref_slice %arg22[%dma_wait3A] : memref<10256xf32, #tpu.memory_space<vmem>> -> memref<10240xf32, #tpu.memory_space<vmem>>
      %dma_wait3A_39 = tpu.memref_slice %arg9[%mul3A_32] : memref<327680xf32, #tpu.memory_space<hbm>> -> memref<10240xf32, #tpu.memory_space<hbm>>
      %dma_wait3A_40 = tpu.memref_slice %arg9[%mul3A_32] : memref<327680xf32, #tpu.memory_space<hbm>> -> memref<10240xf32, #tpu.memory_space<hbm>>
      %dma_wait3A_41 = arith.constant 0 : i32
      %dma_wait3A_42 = tpu.memref_slice %arg22[%dma_wait3A_41] : memref<10256xf32, #tpu.memory_space<vmem>> -> memref<10240xf32, #tpu.memory_space<vmem>>
      tpu.wait_dma2 semaphore(%run_scoped3A : memref<!tpu.dma_semaphore, #tpu.memory_space<semaphore_mem>>) src(%dma_wait3A_42 : memref<10240xf32, #tpu.memory_space<vmem>>) dst(%dma_wait3A_40 : memref<10240xf32, #tpu.memory_space<hbm>>)
      tpu.yield
    }) : () -> ()
    return
  }
}

module attributes {stable_mosaic.version = 14 : i64} {
  func.func @_prep_body(%arg0: i32, %arg1: memref<256x128xf32, #tpu.memory_space<vmem>>, %arg2: memref<128x128xf32, #tpu.memory_space<vmem>>, %arg3: memref<1x128xf32, #tpu.memory_space<vmem>>, %arg4: memref<1x128xf32, #tpu.memory_space<vmem>>, %arg5: memref<128x128xf32, #tpu.memory_space<vmem>>, %arg6: memref<128x128xf32, #tpu.memory_space<vmem>>, %arg7: memref<256x128xf32, #tpu.memory_space<vmem>>, %arg8: memref<256x128xf32, #tpu.memory_space<vmem>>) attributes {dimension_semantics = [#tpu.dimension_semantics<arbitrary>], iteration_bounds = array<i64: 8>, scalar_prefetch = 0 : i64, scratch_operands = 0 : i64, tpu.core_type = #tpu.core_type<tc>, window_params = [{transform_indices = @transform_0, window_bounds = array<i64: 256, 128>}, {pipeline_mode = #tpu.pipeline_mode<synchronous>, transform_indices = @transform_1, window_bounds = array<i64: 128, 128>}, {pipeline_mode = #tpu.pipeline_mode<synchronous>, transform_indices = @transform_2, window_bounds = array<i64: 1, 128>}, {pipeline_mode = #tpu.pipeline_mode<synchronous>, transform_indices = @transform_3, window_bounds = array<i64: 1, 128>}, {pipeline_mode = #tpu.pipeline_mode<synchronous>, transform_indices = @transform_4, window_bounds = array<i64: 128, 128>}, {pipeline_mode = #tpu.pipeline_mode<synchronous>, transform_indices = @transform_5, window_bounds = array<i64: 128, 128>}, {transform_indices = @transform_6, window_bounds = array<i64: 256, 128>}, {transform_indices = @transform_7, window_bounds = array<i64: 256, 128>}]} {
    %get3A = arith.constant 0 : index
    %get3A_0 = arith.constant 0 : index
    %get3A_1 = vector.load %arg1[%get3A, %get3A_0] : memref<256x128xf32, #tpu.memory_space<vmem>>, vector<256x128xf32>
    %get3A_2 = arith.constant 0 : index
    %get3A_3 = arith.constant 0 : index
    %get3A_4 = vector.load %arg2[%get3A_2, %get3A_3] : memref<128x128xf32, #tpu.memory_space<vmem>>, vector<128x128xf32>
    %dot_general3A = arith.constant dense<0.000000e+00> : vector<256x128xf32>
    %dot_general3A_5 = tpu.matmul %get3A_1, %get3A_4, %dot_general3A {dimension_numbers = #tpu.dot_dimension_numbers<[1], [0], [0], [1], [0, 0, 1, 1], [], []>, precision = #tpu.contract_precision<fp32>, transpose_lhs_hint = false} : vector<256x128xf32>, vector<128x128xf32>, vector<256x128xf32> -> vector<256x128xf32>
    %get3A_6 = arith.constant 0 : index
    %get3A_7 = arith.constant 0 : index
    %get3A_8 = vector.load %arg3[%get3A_6, %get3A_7] : memref<1x128xf32, #tpu.memory_space<vmem>>, vector<1x128xf32>
    %get3A_9 = arith.constant 0 : index
    %get3A_10 = arith.constant 0 : index
    %get3A_11 = vector.load %arg4[%get3A_9, %get3A_10] : memref<1x128xf32, #tpu.memory_space<vmem>>, vector<1x128xf32>
    %reduce_sum3A = arith.constant dense<0.000000e+00> : vector<256xf32>
    %reduce_sum3A_12 = vector.multi_reduction <add>, %dot_general3A_5, %reduce_sum3A [1] : vector<256x128xf32> to vector<256xf32>
    %broadcast_in_dim3A = vector.shape_cast %reduce_sum3A_12 : vector<256xf32> to vector<256x1xf32>
    %div3A = arith.constant 1.280000e+02 : f32
    %div3A_13 = vector.broadcast %div3A : f32 to vector<256x1xf32>
    %div3A_14 = arith.divf %broadcast_in_dim3A, %div3A_13 : vector<256x1xf32>
    %sub3A = vector.broadcast %div3A_14 : vector<256x1xf32> to vector<256x128xf32>
    %sub3A_15 = arith.subf %dot_general3A_5, %sub3A : vector<256x128xf32>
    %mul3A = arith.mulf %sub3A_15, %sub3A_15 : vector<256x128xf32>
    %reduce_sum3A_16 = arith.constant dense<0.000000e+00> : vector<256xf32>
    %reduce_sum3A_17 = vector.multi_reduction <add>, %mul3A, %reduce_sum3A_16 [1] : vector<256x128xf32> to vector<256xf32>
    %broadcast_in_dim3A_18 = vector.shape_cast %reduce_sum3A_17 : vector<256xf32> to vector<256x1xf32>
    %div3A_19 = arith.constant 1.280000e+02 : f32
    %div3A_20 = vector.broadcast %div3A_19 : f32 to vector<256x1xf32>
    %div3A_21 = arith.divf %broadcast_in_dim3A_18, %div3A_20 : vector<256x1xf32>
    %add3A = arith.constant 9.99999974E-6 : f32
    %add3A_22 = vector.broadcast %add3A : f32 to vector<256x1xf32>
    %add3A_23 = arith.addf %div3A_21, %add3A_22 : vector<256x1xf32>
    %rsqrt3A = math.rsqrt %add3A_23 : vector<256x1xf32>
    %mul3A_24 = vector.broadcast %rsqrt3A : vector<256x1xf32> to vector<256x128xf32>
    %mul3A_25 = arith.mulf %sub3A_15, %mul3A_24 : vector<256x128xf32>
    %mul3A_26 = vector.broadcast %get3A_8 : vector<1x128xf32> to vector<256x128xf32>
    %mul3A_27 = arith.mulf %mul3A_25, %mul3A_26 : vector<256x128xf32>
    %add3A_28 = vector.broadcast %get3A_11 : vector<1x128xf32> to vector<256x128xf32>
    %add3A_29 = arith.addf %mul3A_27, %add3A_28 : vector<256x128xf32>
    %max3A = arith.constant 0.000000e+00 : f32
    %max3A_30 = vector.broadcast %max3A : f32 to vector<256x128xf32>
    %max3A_31 = arith.maximumf %add3A_29, %max3A_30 : vector<256x128xf32>
    %get3A_32 = arith.constant 0 : index
    %get3A_33 = arith.constant 0 : index
    %get3A_34 = vector.load %arg5[%get3A_32, %get3A_33] : memref<128x128xf32, #tpu.memory_space<vmem>>, vector<128x128xf32>
    %dot_general3A_35 = arith.constant dense<0.000000e+00> : vector<256x128xf32>
    %dot_general3A_36 = tpu.matmul %max3A_31, %get3A_34, %dot_general3A_35 {dimension_numbers = #tpu.dot_dimension_numbers<[1], [0], [0], [1], [0, 0, 1, 1], [], []>, precision = #tpu.contract_precision<fp32>, transpose_lhs_hint = false} : vector<256x128xf32>, vector<128x128xf32>, vector<256x128xf32> -> vector<256x128xf32>
    %swap3A = arith.constant 0 : index
    %swap3A_37 = arith.constant 0 : index
    %swap3A_38 = vector.load %arg7[%swap3A, %swap3A_37] : memref<256x128xf32, #tpu.memory_space<vmem>>, vector<256x128xf32>
    tpu.vector_store %arg7[%swap3A, %swap3A_37], %dot_general3A_36 {strides = array<i32>} : memref<256x128xf32, #tpu.memory_space<vmem>>, vector<256x128xf32>,
    %get3A_39 = arith.constant 0 : index
    %get3A_40 = arith.constant 0 : index
    %get3A_41 = vector.load %arg6[%get3A_39, %get3A_40] : memref<128x128xf32, #tpu.memory_space<vmem>>, vector<128x128xf32>
    %dot_general3A_42 = arith.constant dense<0.000000e+00> : vector<256x128xf32>
    %dot_general3A_43 = tpu.matmul %get3A_1, %get3A_41, %dot_general3A_42 {dimension_numbers = #tpu.dot_dimension_numbers<[1], [0], [0], [1], [0, 0, 1, 1], [], []>, precision = #tpu.contract_precision<fp32>, transpose_lhs_hint = false} : vector<256x128xf32>, vector<128x128xf32>, vector<256x128xf32> -> vector<256x128xf32>
    %swap3A_44 = arith.constant 0 : index
    %swap3A_45 = arith.constant 0 : index
    %swap3A_46 = vector.load %arg8[%swap3A_44, %swap3A_45] : memref<256x128xf32, #tpu.memory_space<vmem>>, vector<256x128xf32>
    tpu.vector_store %arg8[%swap3A_44, %swap3A_45], %dot_general3A_43 {strides = array<i32>} : memref<256x128xf32, #tpu.memory_space<vmem>>, vector<256x128xf32>,
    return
  }
  func.func @transform_0(%arg0: i32) -> (i32, i32) {
    %c0_i32 = arith.constant 0 : i32
    %c0_i32_0 = arith.constant 0 : i32
    return %arg0, %c0_i32 : i32, i32
  }
  func.func @transform_1(%arg0: i32) -> (i32, i32) {
    %c0_i32 = arith.constant 0 : i32
    %c0_i32_0 = arith.constant 0 : i32
    %c0_i32_1 = arith.constant 0 : i32
    return %c0_i32, %c0_i32_0 : i32, i32
  }
  func.func @transform_2(%arg0: i32) -> (i32, i32) {
    %c0_i32 = arith.constant 0 : i32
    %c0_i32_0 = arith.constant 0 : i32
    %c0_i32_1 = arith.constant 0 : i32
    return %c0_i32, %c0_i32_0 : i32, i32
  }
  func.func @transform_3(%arg0: i32) -> (i32, i32) {
    %c0_i32 = arith.constant 0 : i32
    %c0_i32_0 = arith.constant 0 : i32
    %c0_i32_1 = arith.constant 0 : i32
    return %c0_i32, %c0_i32_0 : i32, i32
  }
  func.func @transform_4(%arg0: i32) -> (i32, i32) {
    %c0_i32 = arith.constant 0 : i32
    %c0_i32_0 = arith.constant 0 : i32
    %c0_i32_1 = arith.constant 0 : i32
    return %c0_i32, %c0_i32_0 : i32, i32
  }
  func.func @transform_5(%arg0: i32) -> (i32, i32) {
    %c0_i32 = arith.constant 0 : i32
    %c0_i32_0 = arith.constant 0 : i32
    %c0_i32_1 = arith.constant 0 : i32
    return %c0_i32, %c0_i32_0 : i32, i32
  }
  func.func @transform_6(%arg0: i32) -> (i32, i32) {
    %c0_i32 = arith.constant 0 : i32
    %c0_i32_0 = arith.constant 0 : i32
    return %arg0, %c0_i32 : i32, i32
  }
  func.func @transform_7(%arg0: i32) -> (i32, i32) {
    %c0_i32 = arith.constant 0 : i32
    %c0_i32_0 = arith.constant 0 : i32
    return %arg0, %c0_i32 : i32, i32
  }
}

module attributes {stable_mosaic.version = 14 : i64} {
  func.func @_edge_body(%arg0: i32, %arg1: memref<1280x128xf32, #tpu.memory_space<vmem>>, %arg2: memref<1280x1xf32, #tpu.memory_space<vmem>>, %arg3: memref<1280x1xf32, #tpu.memory_space<vmem>>, %arg4: memref<1280x1xf32, #tpu.memory_space<vmem>>, %arg5: memref<8x128xf32, #tpu.memory_space<vmem>>, %arg6: memref<8x128xf32, #tpu.memory_space<vmem>>, %arg7: memref<2x128xf32, #tpu.memory_space<vmem>>, %arg8: memref<1x128xf32, #tpu.memory_space<vmem>>, %arg9: memref<128x128xf32, #tpu.memory_space<vmem>>, %arg10: memref<1x128xf32, #tpu.memory_space<vmem>>, %arg11: memref<1x128xf32, #tpu.memory_space<vmem>>, %arg12: memref<128x128xf32, #tpu.memory_space<vmem>>, %arg13: memref<128x128xf32, #tpu.memory_space<vmem>>, %arg14: memref<1x128xf32, #tpu.memory_space<vmem>>, %arg15: memref<1x128xf32, #tpu.memory_space<vmem>>, %arg16: memref<128x128xf32, #tpu.memory_space<vmem>>, %arg17: memref<8x128xf32, #tpu.memory_space<vmem>>) attributes {dimension_semantics = [#tpu.dimension_semantics<arbitrary>], iteration_bounds = array<i64: 256>, scalar_prefetch = 0 : i64, scratch_operands = 0 : i64, tpu.core_type = #tpu.core_type<tc>, window_params = [{transform_indices = @transform_0, window_bounds = array<i64: 1280, 128>}, {transform_indices = @transform_1, window_bounds = array<i64: 1280, 1>}, {transform_indices = @transform_2, window_bounds = array<i64: 1280, 1>}, {transform_indices = @transform_3, window_bounds = array<i64: 1280, 1>}, {transform_indices = @transform_4, window_bounds = array<i64: 8, 128>}, {transform_indices = @transform_5, window_bounds = array<i64: 8, 128>}, {pipeline_mode = #tpu.pipeline_mode<synchronous>, transform_indices = @transform_6, window_bounds = array<i64: 2, 128>}, {pipeline_mode = #tpu.pipeline_mode<synchronous>, transform_indices = @transform_7, window_bounds = array<i64: 1, 128>}, {pipeline_mode = #tpu.pipeline_mode<synchronous>, transform_indices = @transform_8, window_bounds = array<i64: 128, 128>}, {pipeline_mode = #tpu.pipeline_mode<synchronous>, transform_indices = @transform_9, window_bounds = array<i64: 1, 128>}, {pipeline_mode = #tpu.pipeline_mode<synchronous>, transform_indices = @transform_10, window_bounds = array<i64: 1, 128>}, {pipeline_mode = #tpu.pipeline_mode<synchronous>, transform_indices = @transform_11, window_bounds = array<i64: 128, 128>}, {pipeline_mode = #tpu.pipeline_mode<synchronous>, transform_indices = @transform_12, window_bounds = array<i64: 128, 128>}, {pipeline_mode = #tpu.pipeline_mode<synchronous>, transform_indices = @transform_13, window_bounds = array<i64: 1, 128>}, {pipeline_mode = #tpu.pipeline_mode<synchronous>, transform_indices = @transform_14, window_bounds = array<i64: 1, 128>}, {pipeline_mode = #tpu.pipeline_mode<synchronous>, transform_indices = @transform_15, window_bounds = array<i64: 128, 128>}, {transform_indices = @transform_16, window_bounds = array<i64: 8, 128>}]} {
    %get3A = arith.constant 0 : index
    %get3A_0 = arith.constant 0 : index
    %get3A_1 = vector.load %arg2[%get3A, %get3A_0] : memref<1280x1xf32, #tpu.memory_space<vmem>>, vector<1280x1xf32>
    %get3A_2 = arith.constant 0 : index
    %get3A_3 = arith.constant 0 : index
    %get3A_4 = vector.load %arg3[%get3A_2, %get3A_3] : memref<1280x1xf32, #tpu.memory_space<vmem>>, vector<1280x1xf32>
    %get3A_5 = arith.constant 0 : index
    %get3A_6 = arith.constant 0 : index
    %get3A_7 = vector.load %arg7[%get3A_5, %get3A_6] : memref<2x128xf32, #tpu.memory_space<vmem>>, vector<2x128xf32>
    %slice3A = vector.extract_strided_slice %get3A_7 {offsets = [0, 0], sizes = [1, 128], strides = [1, 1]} : vector<2x128xf32> to vector<1x128xf32>
    %mul3A = vector.broadcast %get3A_1 : vector<1280x1xf32> to vector<1280x128xf32>
    %mul3A_8 = vector.broadcast %slice3A : vector<1x128xf32> to vector<1280x128xf32>
    %mul3A_9 = arith.mulf %mul3A, %mul3A_8 : vector<1280x128xf32>
    %slice3A_10 = vector.extract_strided_slice %get3A_7 {offsets = [1, 0], sizes = [1, 128], strides = [1, 1]} : vector<2x128xf32> to vector<1x128xf32>
    %mul3A_11 = vector.broadcast %get3A_4 : vector<1280x1xf32> to vector<1280x128xf32>
    %mul3A_12 = vector.broadcast %slice3A_10 : vector<1x128xf32> to vector<1280x128xf32>
    %mul3A_13 = arith.mulf %mul3A_11, %mul3A_12 : vector<1280x128xf32>
    %add3A = arith.addf %mul3A_9, %mul3A_13 : vector<1280x128xf32>
    %get3A_14 = arith.constant 0 : index
    %get3A_15 = arith.constant 0 : index
    %get3A_16 = vector.load %arg8[%get3A_14, %get3A_15] : memref<1x128xf32, #tpu.memory_space<vmem>>, vector<1x128xf32>
    %add3A_17 = vector.broadcast %get3A_16 : vector<1x128xf32> to vector<1280x128xf32>
    %add3A_18 = arith.addf %add3A, %add3A_17 : vector<1280x128xf32>
    %max3A = arith.constant 0.000000e+00 : f32
    %max3A_19 = vector.broadcast %max3A : f32 to vector<1280x128xf32>
    %max3A_20 = arith.maximumf %add3A_18, %max3A_19 : vector<1280x128xf32>
    %get3A_21 = arith.constant 0 : index
    %get3A_22 = arith.constant 0 : index
    %get3A_23 = vector.load %arg9[%get3A_21, %get3A_22] : memref<128x128xf32, #tpu.memory_space<vmem>>, vector<128x128xf32>
    %dot_general3A = arith.constant dense<0.000000e+00> : vector<1280x128xf32>
    %dot_general3A_24 = tpu.matmul %max3A_20, %get3A_23, %dot_general3A {dimension_numbers = #tpu.dot_dimension_numbers<[1], [0], [0], [1], [0, 0, 1, 1], [], []>, precision = #tpu.contract_precision<fp32>, transpose_lhs_hint = false} : vector<1280x128xf32>, vector<128x128xf32>, vector<1280x128xf32> -> vector<1280x128xf32>
    %get3A_25 = arith.constant 0 : index
    %get3A_26 = arith.constant 0 : index
    %get3A_27 = vector.load %arg10[%get3A_25, %get3A_26] : memref<1x128xf32, #tpu.memory_space<vmem>>, vector<1x128xf32>
    %get3A_28 = arith.constant 0 : index
    %get3A_29 = arith.constant 0 : index
    %get3A_30 = vector.load %arg11[%get3A_28, %get3A_29] : memref<1x128xf32, #tpu.memory_space<vmem>>, vector<1x128xf32>
    %reduce_sum3A = arith.constant dense<0.000000e+00> : vector<1280xf32>
    %reduce_sum3A_31 = vector.multi_reduction <add>, %dot_general3A_24, %reduce_sum3A [1] : vector<1280x128xf32> to vector<1280xf32>
    %broadcast_in_dim3A = vector.shape_cast %reduce_sum3A_31 : vector<1280xf32> to vector<1280x1xf32>
    %div3A = arith.constant 1.280000e+02 : f32
    %div3A_32 = vector.broadcast %div3A : f32 to vector<1280x1xf32>
    %div3A_33 = arith.divf %broadcast_in_dim3A, %div3A_32 : vector<1280x1xf32>
    %sub3A = vector.broadcast %div3A_33 : vector<1280x1xf32> to vector<1280x128xf32>
    %sub3A_34 = arith.subf %dot_general3A_24, %sub3A : vector<1280x128xf32>
    %mul3A_35 = arith.mulf %sub3A_34, %sub3A_34 : vector<1280x128xf32>
    %reduce_sum3A_36 = arith.constant dense<0.000000e+00> : vector<1280xf32>
    %reduce_sum3A_37 = vector.multi_reduction <add>, %mul3A_35, %reduce_sum3A_36 [1] : vector<1280x128xf32> to vector<1280xf32>
    %broadcast_in_dim3A_38 = vector.shape_cast %reduce_sum3A_37 : vector<1280xf32> to vector<1280x1xf32>
    %div3A_39 = arith.constant 1.280000e+02 : f32
    %div3A_40 = vector.broadcast %div3A_39 : f32 to vector<1280x1xf32>
    %div3A_41 = arith.divf %broadcast_in_dim3A_38, %div3A_40 : vector<1280x1xf32>
    %add3A_42 = arith.constant 9.99999974E-6 : f32
    %add3A_43 = vector.broadcast %add3A_42 : f32 to vector<1280x1xf32>
    %add3A_44 = arith.addf %div3A_41, %add3A_43 : vector<1280x1xf32>
    %rsqrt3A = math.rsqrt %add3A_44 : vector<1280x1xf32>
    %mul3A_45 = vector.broadcast %rsqrt3A : vector<1280x1xf32> to vector<1280x128xf32>
    %mul3A_46 = arith.mulf %sub3A_34, %mul3A_45 : vector<1280x128xf32>
    %mul3A_47 = vector.broadcast %get3A_27 : vector<1x128xf32> to vector<1280x128xf32>
    %mul3A_48 = arith.mulf %mul3A_46, %mul3A_47 : vector<1280x128xf32>
    %add3A_49 = vector.broadcast %get3A_30 : vector<1x128xf32> to vector<1280x128xf32>
    %add3A_50 = arith.addf %mul3A_48, %add3A_49 : vector<1280x128xf32>
    %max3A_51 = arith.constant 0.000000e+00 : f32
    %max3A_52 = vector.broadcast %max3A_51 : f32 to vector<1280x128xf32>
    %max3A_53 = arith.maximumf %add3A_50, %max3A_52 : vector<1280x128xf32>
    %get3A_54 = arith.constant 0 : index
    %get3A_55 = arith.constant 0 : index
    %get3A_56 = vector.load %arg12[%get3A_54, %get3A_55] : memref<128x128xf32, #tpu.memory_space<vmem>>, vector<128x128xf32>
    %dot_general3A_57 = arith.constant dense<0.000000e+00> : vector<1280x128xf32>
    %dot_general3A_58 = tpu.matmul %max3A_53, %get3A_56, %dot_general3A_57 {dimension_numbers = #tpu.dot_dimension_numbers<[1], [0], [0], [1], [0, 0, 1, 1], [], []>, transpose_lhs_hint = false} : vector<1280x128xf32>, vector<128x128xf32>, vector<1280x128xf32> -> vector<1280x128xf32>
    %get3A_59 = arith.constant 0 : index
    %get3A_60 = arith.constant 0 : index
    %get3A_61 = vector.load %arg1[%get3A_59, %get3A_60] : memref<1280x128xf32, #tpu.memory_space<vmem>>, vector<1280x128xf32>
    %get3A_62 = arith.constant 0 : index
    %get3A_63 = arith.constant 0 : index
    %get3A_64 = vector.load %arg13[%get3A_62, %get3A_63] : memref<128x128xf32, #tpu.memory_space<vmem>>, vector<128x128xf32>
    %dot_general3A_65 = arith.constant dense<0.000000e+00> : vector<1280x128xf32>
    %dot_general3A_66 = tpu.matmul %get3A_61, %get3A_64, %dot_general3A_65 {dimension_numbers = #tpu.dot_dimension_numbers<[1], [0], [0], [1], [0, 0, 1, 1], [], []>, transpose_lhs_hint = false} : vector<1280x128xf32>, vector<128x128xf32>, vector<1280x128xf32> -> vector<1280x128xf32>
    %add3A_67 = arith.addf %dot_general3A_58, %dot_general3A_66 : vector<1280x128xf32>
    %get3A_68 = arith.constant 0 : index
    %get3A_69 = arith.constant 0 : index
    %get3A_70 = vector.load %arg5[%get3A_68, %get3A_69] : memref<8x128xf32, #tpu.memory_space<vmem>>, vector<8x128xf32>
    %slice3A_71 = vector.extract_strided_slice %get3A_70 {offsets = [0, 0], sizes = [1, 128], strides = [1, 1]} : vector<8x128xf32> to vector<1x128xf32>
    %broadcast_in_dim3A_72 = vector.shape_cast %slice3A_71 : vector<1x128xf32> to vector<1x128xf32>
    %broadcast_in_dim3A_73 = vector.broadcast %broadcast_in_dim3A_72 : vector<1x128xf32> to vector<160x128xf32>
    %slice3A_74 = vector.extract_strided_slice %get3A_70 {offsets = [1, 0], sizes = [1, 128], strides = [1, 1]} : vector<8x128xf32> to vector<1x128xf32>
    %broadcast_in_dim3A_75 = vector.shape_cast %slice3A_74 : vector<1x128xf32> to vector<1x128xf32>
    %broadcast_in_dim3A_76 = vector.broadcast %broadcast_in_dim3A_75 : vector<1x128xf32> to vector<160x128xf32>
    %slice3A_77 = vector.extract_strided_slice %get3A_70 {offsets = [2, 0], sizes = [1, 128], strides = [1, 1]} : vector<8x128xf32> to vector<1x128xf32>
    %broadcast_in_dim3A_78 = vector.shape_cast %slice3A_77 : vector<1x128xf32> to vector<1x128xf32>
    %broadcast_in_dim3A_79 = vector.broadcast %broadcast_in_dim3A_78 : vector<1x128xf32> to vector<160x128xf32>
    %slice3A_80 = vector.extract_strided_slice %get3A_70 {offsets = [3, 0], sizes = [1, 128], strides = [1, 1]} : vector<8x128xf32> to vector<1x128xf32>
    %broadcast_in_dim3A_81 = vector.shape_cast %slice3A_80 : vector<1x128xf32> to vector<1x128xf32>
    %broadcast_in_dim3A_82 = vector.broadcast %broadcast_in_dim3A_81 : vector<1x128xf32> to vector<160x128xf32>
    %slice3A_83 = vector.extract_strided_slice %get3A_70 {offsets = [4, 0], sizes = [1, 128], strides = [1, 1]} : vector<8x128xf32> to vector<1x128xf32>
    %broadcast_in_dim3A_84 = vector.shape_cast %slice3A_83 : vector<1x128xf32> to vector<1x128xf32>
    %broadcast_in_dim3A_85 = vector.broadcast %broadcast_in_dim3A_84 : vector<1x128xf32> to vector<160x128xf32>
    %slice3A_86 = vector.extract_strided_slice %get3A_70 {offsets = [5, 0], sizes = [1, 128], strides = [1, 1]} : vector<8x128xf32> to vector<1x128xf32>
    %broadcast_in_dim3A_87 = vector.shape_cast %slice3A_86 : vector<1x128xf32> to vector<1x128xf32>
    %broadcast_in_dim3A_88 = vector.broadcast %broadcast_in_dim3A_87 : vector<1x128xf32> to vector<160x128xf32>
    %slice3A_89 = vector.extract_strided_slice %get3A_70 {offsets = [6, 0], sizes = [1, 128], strides = [1, 1]} : vector<8x128xf32> to vector<1x128xf32>
    %broadcast_in_dim3A_90 = vector.shape_cast %slice3A_89 : vector<1x128xf32> to vector<1x128xf32>
    %broadcast_in_dim3A_91 = vector.broadcast %broadcast_in_dim3A_90 : vector<1x128xf32> to vector<160x128xf32>
    %slice3A_92 = vector.extract_strided_slice %get3A_70 {offsets = [7, 0], sizes = [1, 128], strides = [1, 1]} : vector<8x128xf32> to vector<1x128xf32>
    %broadcast_in_dim3A_93 = vector.shape_cast %slice3A_92 : vector<1x128xf32> to vector<1x128xf32>
    %broadcast_in_dim3A_94 = vector.broadcast %broadcast_in_dim3A_93 : vector<1x128xf32> to vector<160x128xf32>
    %concatenate3A = tpu.concatenate %broadcast_in_dim3A_73, %broadcast_in_dim3A_76, %broadcast_in_dim3A_79, %broadcast_in_dim3A_82, %broadcast_in_dim3A_85, %broadcast_in_dim3A_88, %broadcast_in_dim3A_91, %broadcast_in_dim3A_94 in 0 : vector<160x128xf32>, vector<160x128xf32>, vector<160x128xf32>, vector<160x128xf32>, vector<160x128xf32>, vector<160x128xf32>, vector<160x128xf32>, vector<160x128xf32> -> vector<1280x128xf32>
    %add3A_95 = arith.addf %add3A_67, %concatenate3A : vector<1280x128xf32>
    %get3A_96 = arith.constant 0 : index
    %get3A_97 = arith.constant 0 : index
    %get3A_98 = vector.load %arg14[%get3A_96, %get3A_97] : memref<1x128xf32, #tpu.memory_space<vmem>>, vector<1x128xf32>
    %get3A_99 = arith.constant 0 : index
    %get3A_100 = arith.constant 0 : index
    %get3A_101 = vector.load %arg15[%get3A_99, %get3A_100] : memref<1x128xf32, #tpu.memory_space<vmem>>, vector<1x128xf32>
    %reduce_sum3A_102 = arith.constant dense<0.000000e+00> : vector<1280xf32>
    %reduce_sum3A_103 = vector.multi_reduction <add>, %add3A_95, %reduce_sum3A_102 [1] : vector<1280x128xf32> to vector<1280xf32>
    %broadcast_in_dim3A_104 = vector.shape_cast %reduce_sum3A_103 : vector<1280xf32> to vector<1280x1xf32>
    %div3A_105 = arith.constant 1.280000e+02 : f32
    %div3A_106 = vector.broadcast %div3A_105 : f32 to vector<1280x1xf32>
    %div3A_107 = arith.divf %broadcast_in_dim3A_104, %div3A_106 : vector<1280x1xf32>
    %sub3A_108 = vector.broadcast %div3A_107 : vector<1280x1xf32> to vector<1280x128xf32>
    %sub3A_109 = arith.subf %add3A_95, %sub3A_108 : vector<1280x128xf32>
    %mul3A_110 = arith.mulf %sub3A_109, %sub3A_109 : vector<1280x128xf32>
    %reduce_sum3A_111 = arith.constant dense<0.000000e+00> : vector<1280xf32>
    %reduce_sum3A_112 = vector.multi_reduction <add>, %mul3A_110, %reduce_sum3A_111 [1] : vector<1280x128xf32> to vector<1280xf32>
    %broadcast_in_dim3A_113 = vector.shape_cast %reduce_sum3A_112 : vector<1280xf32> to vector<1280x1xf32>
    %div3A_114 = arith.constant 1.280000e+02 : f32
    %div3A_115 = vector.broadcast %div3A_114 : f32 to vector<1280x1xf32>
    %div3A_116 = arith.divf %broadcast_in_dim3A_113, %div3A_115 : vector<1280x1xf32>
    %add3A_117 = arith.constant 9.99999974E-6 : f32
    %add3A_118 = vector.broadcast %add3A_117 : f32 to vector<1280x1xf32>
    %add3A_119 = arith.addf %div3A_116, %add3A_118 : vector<1280x1xf32>
    %rsqrt3A_120 = math.rsqrt %add3A_119 : vector<1280x1xf32>
    %mul3A_121 = vector.broadcast %rsqrt3A_120 : vector<1280x1xf32> to vector<1280x128xf32>
    %mul3A_122 = arith.mulf %sub3A_109, %mul3A_121 : vector<1280x128xf32>
    %mul3A_123 = vector.broadcast %get3A_98 : vector<1x128xf32> to vector<1280x128xf32>
    %mul3A_124 = arith.mulf %mul3A_122, %mul3A_123 : vector<1280x128xf32>
    %add3A_125 = vector.broadcast %get3A_101 : vector<1x128xf32> to vector<1280x128xf32>
    %add3A_126 = arith.addf %mul3A_124, %add3A_125 : vector<1280x128xf32>
    %max3A_127 = arith.constant 0.000000e+00 : f32
    %max3A_128 = vector.broadcast %max3A_127 : f32 to vector<1280x128xf32>
    %max3A_129 = arith.maximumf %add3A_126, %max3A_128 : vector<1280x128xf32>
    %get3A_130 = arith.constant 0 : index
    %get3A_131 = arith.constant 0 : index
    %get3A_132 = vector.load %arg16[%get3A_130, %get3A_131] : memref<128x128xf32, #tpu.memory_space<vmem>>, vector<128x128xf32>
    %dot_general3A_133 = arith.constant dense<0.000000e+00> : vector<1280x128xf32>
    %dot_general3A_134 = tpu.matmul %max3A_129, %get3A_132, %dot_general3A_133 {dimension_numbers = #tpu.dot_dimension_numbers<[1], [0], [0], [1], [0, 0, 1, 1], [], []>, transpose_lhs_hint = false} : vector<1280x128xf32>, vector<128x128xf32>, vector<1280x128xf32> -> vector<1280x128xf32>
    %get3A_135 = arith.constant 0 : index
    %get3A_136 = arith.constant 0 : index
    %get3A_137 = vector.load %arg4[%get3A_135, %get3A_136] : memref<1280x1xf32, #tpu.memory_space<vmem>>, vector<1280x1xf32>
    %mul3A_138 = vector.broadcast %get3A_137 : vector<1280x1xf32> to vector<1280x128xf32>
    %mul3A_139 = arith.mulf %dot_general3A_134, %mul3A_138 : vector<1280x128xf32>
    %slice3A_140 = vector.extract_strided_slice %mul3A_139 {offsets = [0, 0], sizes = [160, 128], strides = [1, 1]} : vector<1280x128xf32> to vector<160x128xf32>
    %reduce_sum3A_141 = arith.constant dense<0.000000e+00> : vector<128xf32>
    %reduce_sum3A_142 = vector.multi_reduction <add>, %slice3A_140, %reduce_sum3A_141 [0] : vector<160x128xf32> to vector<128xf32>
    %broadcast_in_dim3A_143 = vector.shape_cast %reduce_sum3A_142 : vector<128xf32> to vector<1x128xf32>
    %slice3A_144 = vector.extract_strided_slice %mul3A_139 {offsets = [160, 0], sizes = [160, 128], strides = [1, 1]} : vector<1280x128xf32> to vector<160x128xf32>
    %reduce_sum3A_145 = arith.constant dense<0.000000e+00> : vector<128xf32>
    %reduce_sum3A_146 = vector.multi_reduction <add>, %slice3A_144, %reduce_sum3A_145 [0] : vector<160x128xf32> to vector<128xf32>
    %broadcast_in_dim3A_147 = vector.shape_cast %reduce_sum3A_146 : vector<128xf32> to vector<1x128xf32>
    %slice3A_148 = vector.extract_strided_slice %mul3A_139 {offsets = [320, 0], sizes = [160, 128], strides = [1, 1]} : vector<1280x128xf32> to vector<160x128xf32>
    %reduce_sum3A_149 = arith.constant dense<0.000000e+00> : vector<128xf32>
    %reduce_sum3A_150 = vector.multi_reduction <add>, %slice3A_148, %reduce_sum3A_149 [0] : vector<160x128xf32> to vector<128xf32>
    %broadcast_in_dim3A_151 = vector.shape_cast %reduce_sum3A_150 : vector<128xf32> to vector<1x128xf32>
    %slice3A_152 = vector.extract_strided_slice %mul3A_139 {offsets = [480, 0], sizes = [160, 128], strides = [1, 1]} : vector<1280x128xf32> to vector<160x128xf32>
    %reduce_sum3A_153 = arith.constant dense<0.000000e+00> : vector<128xf32>
    %reduce_sum3A_154 = vector.multi_reduction <add>, %slice3A_152, %reduce_sum3A_153 [0] : vector<160x128xf32> to vector<128xf32>
    %broadcast_in_dim3A_155 = vector.shape_cast %reduce_sum3A_154 : vector<128xf32> to vector<1x128xf32>
    %slice3A_156 = vector.extract_strided_slice %mul3A_139 {offsets = [640, 0], sizes = [160, 128], strides = [1, 1]} : vector<1280x128xf32> to vector<160x128xf32>
    %reduce_sum3A_157 = arith.constant dense<0.000000e+00> : vector<128xf32>
    %reduce_sum3A_158 = vector.multi_reduction <add>, %slice3A_156, %reduce_sum3A_157 [0] : vector<160x128xf32> to vector<128xf32>
    %broadcast_in_dim3A_159 = vector.shape_cast %reduce_sum3A_158 : vector<128xf32> to vector<1x128xf32>
    %slice3A_160 = vector.extract_strided_slice %mul3A_139 {offsets = [800, 0], sizes = [160, 128], strides = [1, 1]} : vector<1280x128xf32> to vector<160x128xf32>
    %reduce_sum3A_161 = arith.constant dense<0.000000e+00> : vector<128xf32>
    %reduce_sum3A_162 = vector.multi_reduction <add>, %slice3A_160, %reduce_sum3A_161 [0] : vector<160x128xf32> to vector<128xf32>
    %broadcast_in_dim3A_163 = vector.shape_cast %reduce_sum3A_162 : vector<128xf32> to vector<1x128xf32>
    %slice3A_164 = vector.extract_strided_slice %mul3A_139 {offsets = [960, 0], sizes = [160, 128], strides = [1, 1]} : vector<1280x128xf32> to vector<160x128xf32>
    %reduce_sum3A_165 = arith.constant dense<0.000000e+00> : vector<128xf32>
    %reduce_sum3A_166 = vector.multi_reduction <add>, %slice3A_164, %reduce_sum3A_165 [0] : vector<160x128xf32> to vector<128xf32>
    %broadcast_in_dim3A_167 = vector.shape_cast %reduce_sum3A_166 : vector<128xf32> to vector<1x128xf32>
    %slice3A_168 = vector.extract_strided_slice %mul3A_139 {offsets = [1120, 0], sizes = [160, 128], strides = [1, 1]} : vector<1280x128xf32> to vector<160x128xf32>
    %reduce_sum3A_169 = arith.constant dense<0.000000e+00> : vector<128xf32>
    %reduce_sum3A_170 = vector.multi_reduction <add>, %slice3A_168, %reduce_sum3A_169 [0] : vector<160x128xf32> to vector<128xf32>
    %broadcast_in_dim3A_171 = vector.shape_cast %reduce_sum3A_170 : vector<128xf32> to vector<1x128xf32>
    %concatenate3A_172 = tpu.concatenate %broadcast_in_dim3A_143, %broadcast_in_dim3A_147, %broadcast_in_dim3A_151, %broadcast_in_dim3A_155, %broadcast_in_dim3A_159, %broadcast_in_dim3A_163, %broadcast_in_dim3A_167, %broadcast_in_dim3A_171 in 0 : vector<1x128xf32>, vector<1x128xf32>, vector<1x128xf32>, vector<1x128xf32>, vector<1x128xf32>, vector<1x128xf32>, vector<1x128xf32>, vector<1x128xf32> -> vector<8x128xf32>
    %get3A_173 = arith.constant 0 : index
    %get3A_174 = arith.constant 0 : index
    %get3A_175 = vector.load %arg6[%get3A_173, %get3A_174] : memref<8x128xf32, #tpu.memory_space<vmem>>, vector<8x128xf32>
    %add3A_176 = arith.addf %get3A_175, %concatenate3A_172 : vector<8x128xf32>
    %swap3A = arith.constant 0 : index
    %swap3A_177 = arith.constant 0 : index
    %swap3A_178 = vector.load %arg17[%swap3A, %swap3A_177] : memref<8x128xf32, #tpu.memory_space<vmem>>, vector<8x128xf32>
    tpu.vector_store %arg17[%swap3A, %swap3A_177], %add3A_176 {strides = array<i32>} : memref<8x128xf32, #tpu.memory_space<vmem>>, vector<8x128xf32>,
    return
  }
  func.func @transform_0(%arg0: i32) -> (i32, i32) {
    %c0_i32 = arith.constant 0 : i32
    %c0_i32_0 = arith.constant 0 : i32
    return %arg0, %c0_i32 : i32, i32
  }
  func.func @transform_1(%arg0: i32) -> (i32, i32) {
    %c0_i32 = arith.constant 0 : i32
    %c0_i32_0 = arith.constant 0 : i32
    return %arg0, %c0_i32 : i32, i32
  }
  func.func @transform_2(%arg0: i32) -> (i32, i32) {
    %c0_i32 = arith.constant 0 : i32
    %c0_i32_0 = arith.constant 0 : i32
    return %arg0, %c0_i32 : i32, i32
  }
  func.func @transform_3(%arg0: i32) -> (i32, i32) {
    %c0_i32 = arith.constant 0 : i32
    %c0_i32_0 = arith.constant 0 : i32
    return %arg0, %c0_i32 : i32, i32
  }
  func.func @transform_4(%arg0: i32) -> (i32, i32) {
    %c0_i32 = arith.constant 0 : i32
    %c0_i32_0 = arith.constant 0 : i32
    return %arg0, %c0_i32 : i32, i32
  }
  func.func @transform_5(%arg0: i32) -> (i32, i32) {
    %c0_i32 = arith.constant 0 : i32
    %c0_i32_0 = arith.constant 0 : i32
    return %arg0, %c0_i32 : i32, i32
  }
  func.func @transform_6(%arg0: i32) -> (i32, i32) {
    %c0_i32 = arith.constant 0 : i32
    %c0_i32_0 = arith.constant 0 : i32
    %c0_i32_1 = arith.constant 0 : i32
    return %c0_i32, %c0_i32_0 : i32, i32
  }
  func.func @transform_7(%arg0: i32) -> (i32, i32) {
    %c0_i32 = arith.constant 0 : i32
    %c0_i32_0 = arith.constant 0 : i32
    %c0_i32_1 = arith.constant 0 : i32
    return %c0_i32, %c0_i32_0 : i32, i32
  }
  func.func @transform_8(%arg0: i32) -> (i32, i32) {
    %c0_i32 = arith.constant 0 : i32
    %c0_i32_0 = arith.constant 0 : i32
    %c0_i32_1 = arith.constant 0 : i32
    return %c0_i32, %c0_i32_0 : i32, i32
  }
  func.func @transform_9(%arg0: i32) -> (i32, i32) {
    %c0_i32 = arith.constant 0 : i32
    %c0_i32_0 = arith.constant 0 : i32
    %c0_i32_1 = arith.constant 0 : i32
    return %c0_i32, %c0_i32_0 : i32, i32
  }
  func.func @transform_10(%arg0: i32) -> (i32, i32) {
    %c0_i32 = arith.constant 0 : i32
    %c0_i32_0 = arith.constant 0 : i32
    %c0_i32_1 = arith.constant 0 : i32
    return %c0_i32, %c0_i32_0 : i32, i32
  }
  func.func @transform_11(%arg0: i32) -> (i32, i32) {
    %c0_i32 = arith.constant 0 : i32
    %c0_i32_0 = arith.constant 0 : i32
    %c0_i32_1 = arith.constant 0 : i32
    return %c0_i32, %c0_i32_0 : i32, i32
  }
  func.func @transform_12(%arg0: i32) -> (i32, i32) {
    %c0_i32 = arith.constant 0 : i32
    %c0_i32_0 = arith.constant 0 : i32
    %c0_i32_1 = arith.constant 0 : i32
    return %c0_i32, %c0_i32_0 : i32, i32
  }
  func.func @transform_13(%arg0: i32) -> (i32, i32) {
    %c0_i32 = arith.constant 0 : i32
    %c0_i32_0 = arith.constant 0 : i32
    %c0_i32_1 = arith.constant 0 : i32
    return %c0_i32, %c0_i32_0 : i32, i32
  }
  func.func @transform_14(%arg0: i32) -> (i32, i32) {
    %c0_i32 = arith.constant 0 : i32
    %c0_i32_0 = arith.constant 0 : i32
    %c0_i32_1 = arith.constant 0 : i32
    return %c0_i32, %c0_i32_0 : i32, i32
  }
  func.func @transform_15(%arg0: i32) -> (i32, i32) {
    %c0_i32 = arith.constant 0 : i32
    %c0_i32_0 = arith.constant 0 : i32
    %c0_i32_1 = arith.constant 0 : i32
    return %c0_i32, %c0_i32_0 : i32, i32
  }
  func.func @transform_16(%arg0: i32) -> (i32, i32) {
    %c0_i32 = arith.constant 0 : i32
    %c0_i32_0 = arith.constant 0 : i32
    return %arg0, %c0_i32 : i32, i32
  }
}

module attributes {stable_mosaic.version = 14 : i64} {
  func.func @_epi_body(%arg0: i32, %arg1: memref<256x128xf32, #tpu.memory_space<vmem>>, %arg2: memref<256x128xf32, #tpu.memory_space<vmem>>, %arg3: memref<1x128xf32, #tpu.memory_space<vmem>>, %arg4: memref<1x128xf32, #tpu.memory_space<vmem>>, %arg5: memref<128x128xf32, #tpu.memory_space<vmem>>, %arg6: memref<1x128xf32, #tpu.memory_space<vmem>>, %arg7: memref<1x128xf32, #tpu.memory_space<vmem>>, %arg8: memref<256x128xf32, #tpu.memory_space<vmem>>) attributes {dimension_semantics = [#tpu.dimension_semantics<arbitrary>], iteration_bounds = array<i64: 8>, scalar_prefetch = 0 : i64, scratch_operands = 0 : i64, tpu.core_type = #tpu.core_type<tc>, window_params = [{transform_indices = @transform_0, window_bounds = array<i64: 256, 128>}, {transform_indices = @transform_1, window_bounds = array<i64: 256, 128>}, {pipeline_mode = #tpu.pipeline_mode<synchronous>, transform_indices = @transform_2, window_bounds = array<i64: 1, 128>}, {pipeline_mode = #tpu.pipeline_mode<synchronous>, transform_indices = @transform_3, window_bounds = array<i64: 1, 128>}, {pipeline_mode = #tpu.pipeline_mode<synchronous>, transform_indices = @transform_4, window_bounds = array<i64: 128, 128>}, {pipeline_mode = #tpu.pipeline_mode<synchronous>, transform_indices = @transform_5, window_bounds = array<i64: 1, 128>}, {pipeline_mode = #tpu.pipeline_mode<synchronous>, transform_indices = @transform_6, window_bounds = array<i64: 1, 128>}, {transform_indices = @transform_7, window_bounds = array<i64: 256, 128>}]} {
    %get3A = arith.constant 0 : index
    %get3A_0 = arith.constant 0 : index
    %get3A_1 = vector.load %arg1[%get3A, %get3A_0] : memref<256x128xf32, #tpu.memory_space<vmem>>, vector<256x128xf32>
    %get3A_2 = arith.constant 0 : index
    %get3A_3 = arith.constant 0 : index
    %get3A_4 = vector.load %arg3[%get3A_2, %get3A_3] : memref<1x128xf32, #tpu.memory_space<vmem>>, vector<1x128xf32>
    %get3A_5 = arith.constant 0 : index
    %get3A_6 = arith.constant 0 : index
    %get3A_7 = vector.load %arg4[%get3A_5, %get3A_6] : memref<1x128xf32, #tpu.memory_space<vmem>>, vector<1x128xf32>
    %reduce_sum3A = arith.constant dense<0.000000e+00> : vector<256xf32>
    %reduce_sum3A_8 = vector.multi_reduction <add>, %get3A_1, %reduce_sum3A [1] : vector<256x128xf32> to vector<256xf32>
    %broadcast_in_dim3A = vector.shape_cast %reduce_sum3A_8 : vector<256xf32> to vector<256x1xf32>
    %div3A = arith.constant 1.280000e+02 : f32
    %div3A_9 = vector.broadcast %div3A : f32 to vector<256x1xf32>
    %div3A_10 = arith.divf %broadcast_in_dim3A, %div3A_9 : vector<256x1xf32>
    %sub3A = vector.broadcast %div3A_10 : vector<256x1xf32> to vector<256x128xf32>
    %sub3A_11 = arith.subf %get3A_1, %sub3A : vector<256x128xf32>
    %mul3A = arith.mulf %sub3A_11, %sub3A_11 : vector<256x128xf32>
    %reduce_sum3A_12 = arith.constant dense<0.000000e+00> : vector<256xf32>
    %reduce_sum3A_13 = vector.multi_reduction <add>, %mul3A, %reduce_sum3A_12 [1] : vector<256x128xf32> to vector<256xf32>
    %broadcast_in_dim3A_14 = vector.shape_cast %reduce_sum3A_13 : vector<256xf32> to vector<256x1xf32>
    %div3A_15 = arith.constant 1.280000e+02 : f32
    %div3A_16 = vector.broadcast %div3A_15 : f32 to vector<256x1xf32>
    %div3A_17 = arith.divf %broadcast_in_dim3A_14, %div3A_16 : vector<256x1xf32>
    %add3A = arith.constant 9.99999974E-6 : f32
    %add3A_18 = vector.broadcast %add3A : f32 to vector<256x1xf32>
    %add3A_19 = arith.addf %div3A_17, %add3A_18 : vector<256x1xf32>
    %rsqrt3A = math.rsqrt %add3A_19 : vector<256x1xf32>
    %mul3A_20 = vector.broadcast %rsqrt3A : vector<256x1xf32> to vector<256x128xf32>
    %mul3A_21 = arith.mulf %sub3A_11, %mul3A_20 : vector<256x128xf32>
    %mul3A_22 = vector.broadcast %get3A_4 : vector<1x128xf32> to vector<256x128xf32>
    %mul3A_23 = arith.mulf %mul3A_21, %mul3A_22 : vector<256x128xf32>
    %add3A_24 = vector.broadcast %get3A_7 : vector<1x128xf32> to vector<256x128xf32>
    %add3A_25 = arith.addf %mul3A_23, %add3A_24 : vector<256x128xf32>
    %max3A = arith.constant 0.000000e+00 : f32
    %max3A_26 = vector.broadcast %max3A : f32 to vector<256x128xf32>
    %max3A_27 = arith.maximumf %add3A_25, %max3A_26 : vector<256x128xf32>
    %get3A_28 = arith.constant 0 : index
    %get3A_29 = arith.constant 0 : index
    %get3A_30 = vector.load %arg5[%get3A_28, %get3A_29] : memref<128x128xf32, #tpu.memory_space<vmem>>, vector<128x128xf32>
    %dot_general3A = arith.constant dense<0.000000e+00> : vector<256x128xf32>
    %dot_general3A_31 = tpu.matmul %max3A_27, %get3A_30, %dot_general3A {dimension_numbers = #tpu.dot_dimension_numbers<[1], [0], [0], [1], [0, 0, 1, 1], [], []>, precision = #tpu.contract_precision<fp32>, transpose_lhs_hint = false} : vector<256x128xf32>, vector<128x128xf32>, vector<256x128xf32> -> vector<256x128xf32>
    %get3A_32 = arith.constant 0 : index
    %get3A_33 = arith.constant 0 : index
    %get3A_34 = vector.load %arg6[%get3A_32, %get3A_33] : memref<1x128xf32, #tpu.memory_space<vmem>>, vector<1x128xf32>
    %get3A_35 = arith.constant 0 : index
    %get3A_36 = arith.constant 0 : index
    %get3A_37 = vector.load %arg7[%get3A_35, %get3A_36] : memref<1x128xf32, #tpu.memory_space<vmem>>, vector<1x128xf32>
    %reduce_sum3A_38 = arith.constant dense<0.000000e+00> : vector<256xf32>
    %reduce_sum3A_39 = vector.multi_reduction <add>, %dot_general3A_31, %reduce_sum3A_38 [1] : vector<256x128xf32> to vector<256xf32>
    %broadcast_in_dim3A_40 = vector.shape_cast %reduce_sum3A_39 : vector<256xf32> to vector<256x1xf32>
    %div3A_41 = arith.constant 1.280000e+02 : f32
    %div3A_42 = vector.broadcast %div3A_41 : f32 to vector<256x1xf32>
    %div3A_43 = arith.divf %broadcast_in_dim3A_40, %div3A_42 : vector<256x1xf32>
    %sub3A_44 = vector.broadcast %div3A_43 : vector<256x1xf32> to vector<256x128xf32>
    %sub3A_45 = arith.subf %dot_general3A_31, %sub3A_44 : vector<256x128xf32>
    %mul3A_46 = arith.mulf %sub3A_45, %sub3A_45 : vector<256x128xf32>
    %reduce_sum3A_47 = arith.constant dense<0.000000e+00> : vector<256xf32>
    %reduce_sum3A_48 = vector.multi_reduction <add>, %mul3A_46, %reduce_sum3A_47 [1] : vector<256x128xf32> to vector<256xf32>
    %broadcast_in_dim3A_49 = vector.shape_cast %reduce_sum3A_48 : vector<256xf32> to vector<256x1xf32>
    %div3A_50 = arith.constant 1.280000e+02 : f32
    %div3A_51 = vector.broadcast %div3A_50 : f32 to vector<256x1xf32>
    %div3A_52 = arith.divf %broadcast_in_dim3A_49, %div3A_51 : vector<256x1xf32>
    %add3A_53 = arith.constant 9.99999974E-6 : f32
    %add3A_54 = vector.broadcast %add3A_53 : f32 to vector<256x1xf32>
    %add3A_55 = arith.addf %div3A_52, %add3A_54 : vector<256x1xf32>
    %rsqrt3A_56 = math.rsqrt %add3A_55 : vector<256x1xf32>
    %mul3A_57 = vector.broadcast %rsqrt3A_56 : vector<256x1xf32> to vector<256x128xf32>
    %mul3A_58 = arith.mulf %sub3A_45, %mul3A_57 : vector<256x128xf32>
    %mul3A_59 = vector.broadcast %get3A_34 : vector<1x128xf32> to vector<256x128xf32>
    %mul3A_60 = arith.mulf %mul3A_58, %mul3A_59 : vector<256x128xf32>
    %add3A_61 = vector.broadcast %get3A_37 : vector<1x128xf32> to vector<256x128xf32>
    %add3A_62 = arith.addf %mul3A_60, %add3A_61 : vector<256x128xf32>
    %get3A_63 = arith.constant 0 : index
    %get3A_64 = arith.constant 0 : index
    %get3A_65 = vector.load %arg2[%get3A_63, %get3A_64] : memref<256x128xf32, #tpu.memory_space<vmem>>, vector<256x128xf32>
    %add3A_66 = arith.addf %add3A_62, %get3A_65 : vector<256x128xf32>
    %max3A_67 = arith.constant 0.000000e+00 : f32
    %max3A_68 = vector.broadcast %max3A_67 : f32 to vector<256x128xf32>
    %max3A_69 = arith.maximumf %add3A_66, %max3A_68 : vector<256x128xf32>
    %swap3A = arith.constant 0 : index
    %swap3A_70 = arith.constant 0 : index
    %swap3A_71 = vector.load %arg8[%swap3A, %swap3A_70] : memref<256x128xf32, #tpu.memory_space<vmem>>, vector<256x128xf32>
    tpu.vector_store %arg8[%swap3A, %swap3A_70], %max3A_69 {strides = array<i32>} : memref<256x128xf32, #tpu.memory_space<vmem>>, vector<256x128xf32>,
    return
  }
  func.func @transform_0(%arg0: i32) -> (i32, i32) {
    %c0_i32 = arith.constant 0 : i32
    %c0_i32_0 = arith.constant 0 : i32
    return %arg0, %c0_i32 : i32, i32
  }
  func.func @transform_1(%arg0: i32) -> (i32, i32) {
    %c0_i32 = arith.constant 0 : i32
    %c0_i32_0 = arith.constant 0 : i32
    return %arg0, %c0_i32 : i32, i32
  }
  func.func @transform_2(%arg0: i32) -> (i32, i32) {
    %c0_i32 = arith.constant 0 : i32
    %c0_i32_0 = arith.constant 0 : i32
    %c0_i32_1 = arith.constant 0 : i32
    return %c0_i32, %c0_i32_0 : i32, i32
  }
  func.func @transform_3(%arg0: i32) -> (i32, i32) {
    %c0_i32 = arith.constant 0 : i32
    %c0_i32_0 = arith.constant 0 : i32
    %c0_i32_1 = arith.constant 0 : i32
    return %c0_i32, %c0_i32_0 : i32, i32
  }
  func.func @transform_4(%arg0: i32) -> (i32, i32) {
    %c0_i32 = arith.constant 0 : i32
    %c0_i32_0 = arith.constant 0 : i32
    %c0_i32_1 = arith.constant 0 : i32
    return %c0_i32, %c0_i32_0 : i32, i32
  }
  func.func @transform_5(%arg0: i32) -> (i32, i32) {
    %c0_i32 = arith.constant 0 : i32
    %c0_i32_0 = arith.constant 0 : i32
    %c0_i32_1 = arith.constant 0 : i32
    return %c0_i32, %c0_i32_0 : i32, i32
  }
  func.func @transform_6(%arg0: i32) -> (i32, i32) {
    %c0_i32 = arith.constant 0 : i32
    %c0_i32_0 = arith.constant 0 : i32
    %c0_i32_1 = arith.constant 0 : i32
    return %c0_i32, %c0_i32_0 : i32, i32
  }
  func.func @transform_7(%arg0: i32) -> (i32, i32) {
    %c0_i32 = arith.constant 0 : i32
    %c0_i32_0 = arith.constant 0 : i32
    return %arg0, %c0_i32 : i32, i32
  }
}

</mosaic_0001>

<sc_bundles>
// kernel: kernel.10.cloned.1.call-start
scs
__scs_entry_jumppad:
0x0: {  	(pc) =	sbr.rel $0x88, $3  }
0x1: {  	(tag) =	ssettag $0x0;
	lr =	simm.s32 $0x1  }
0x2: {  	[smem:$0x3F79] =	sst lr;
	_ =	strace $0xD0000000  }
0x3: {  	_ = 	snop  }
0x4: {  	_ = 	snop  }
0x5: {  	_ = 	snop  }
0x6: {  	_ = 	snop  }
0x7: {  	_ = 	snop  }
__scs_overlays_trampoline_lowered:
0x8: {  	[smem:$0x3F88] =	sst s0  }
0x9: {  	[smem:$0x3F89] =	sst s1  }
0xa: {  	[smem:$0x3F8A] =	sst s2  }
0xb: {  	[smem:$0x3F8B] =	sst s3  }
0xc: {  	[smem:$0x3F8C] =	sst s4  }
0xd: {  	[smem:$0x3F8D] =	sst s5  }
0xe: {  	[smem:$0x3F8E] =	sst s6  }
0xf: {  	[smem:$0x3F8F] =	sst s7  }
0x10: {  	[smem:$0x3F90] =	sst s8  }
0x11: {  	[smem:$0x3F91] =	sst s9;
	s0 =	simm.s32 @!p0 $0x0  }
0x12: {  	s1 =	sld [smem:$0x3F77];
	s0 =	simm.s32 @p0 $0x1  }
0x13: {  	[smem:$0x3F92] =	sst s0;
	s0 =	simm.s32 @!p1 $0x0  }
0x14: {  	s2 =	sld [smem:$0x3F76];
	s0 =	simm.s32 @p1 $0x1  }
0x15: {  	[smem:$0x3F93] =	sst s0;
	s0 =	simm.s32 @!p2 $0x0  }
0x16: {  	s3 =	sld [smem:$0x3FDB];
	s0 =	simm.s32 @p2 $0x1  }
0x17: {  	s4 =	simm.s32 $0x1BF5;
	[smem:$0x3F95] =	sst s0  }
0x18: {  	s0 =	sld [smem:$0x3F78];
	_ =	swait.ge [sflag:s4], $0x0  }
0x19: {  	s7 =	sld [smem:$0x3F79]  }
0x1a: {  	s8 =	sadd.s32 $0xFFFFE003, lr  }
0x1b: {  	s9 =	sadd.s32 $0xFFFFFEF7, lr;
	s5 =	simm.s32 $0xFFFFFFFF;
	p2 =	slt.u32 s8, $0xFFFFF086  }
0x1c: {  	p1 =	slt.u32 s9, $0xF7A;
	s5 =	simm.s32 @!p2 $0x0  }
0x1d: {  	s5 =	simm.s32 @p1 $0x1;
	p0 =	seq.s32 s7, s2  }
0x1e: {  	s7 =	smul.u32 @!p0 $0xF7A, s2;
	p2 =	seq.s32 @!p0 s5, $0x0  }
0x1f: {  	s9 =	smul.u32 $0xF7A, s1;
	s8 =	simm.s32 @!p0 $0x1BF5;
	p2 =	por !p2, p0  }
0x20: {  	[sflag:s8] =	ssyncset.s32 @!p0 $0xFFFFF086;
	s6 =	sadd.s32 @!p0 s3, s7;
	s7 =	simm.s32 @!p0 $0x108  }
0x21: {  	s3 =	sadd.s32 s3, s9;
	s6 =	sadd.s32 @!p0 $0x88, s6;
	s7 =	simm.s32 @p2 $0x1082  }
0x22: {  	[simem:s7], [sflag:s8] =	dma.local @!p0 [hbm:s6], $0xF7A  }
0x23: {  	s9 =	sor.u32 $0xD0000000, s2;
	s6 =	simm.s32 $0x108;
	_ =	swait.ge @!p0 [sflag:s8], $0x0  }
0x24: {  	s3 =	sadd.s32 $0x88, s3;
	s6 =	simm.s32 @!p1 $0x1082;
	[sflag:s4] =	ssyncset.s32 $0xFFFFF086  }
0x25: {  	[simem:s6], [sflag:s4] =	dma.local [hbm:s3], $0xF7A  }
0x26: {  	[smem:$0x3F79] =	sst s1;
	(tag) =	ssettag s2;
	_ =	strace s9  }
0x27: {  	s1 =	sld [smem:$0x3F89]  }
0x28: {  	s2 =	sld [smem:$0x3F8A]  }
0x29: {  	s4 =	sld [smem:$0x3F8C]  }
0x2a: {  	p0 =	seq.s32 s5, $0x0;
	s5 =	sld [smem:$0x3F8D]  }
0x2b: {  	s6 =	sld [smem:$0x3F8E]  }
0x2c: {  	s7 =	sld [smem:$0x3F8F]  }
0x2d: {  	s3 =	simm.s32 $0x108;
	s8 =	sld [smem:$0x3F90]  }
0x2e: {  	s3 =	simm.s32 @!p0 $0x1082;
	s9 =	sld [smem:$0x3F91]  }
0x2f: {  	lr =	sadd.s32 s0, s3;
	s0 =	sld [smem:$0x3F88]  }
0x30: {  	s3 =	sld [smem:$0x3F8B]  }
0x31: {  	[smem:$0x3F94] =	sst s10  }
0x32: {  	s10 =	sld [smem:$0x3F92];
	_ =	sdelay $0x3  }
0x33: {  	p0 =	seq.s32 s10, $0x1;
	s10 =	sld [smem:$0x3F94];
	_ =	sdelay $0x3  }
0x34: {  	[smem:$0x3F94] =	sst s10  }
0x35: {  	s10 =	sld [smem:$0x3F93];
	_ =	sdelay $0x3  }
0x36: {  	p1 =	seq.s32 s10, $0x1;
	s10 =	sld [smem:$0x3F94];
	_ =	sdelay $0x3  }
0x37: {  	[smem:$0x3F94] =	sst s10  }
0x38: {  	s10 =	sld [smem:$0x3F95]  }
0x39: {  	_ = 	snop;
	(pc) =	sbr.ind lr, $3  }
0x3a: {  	_ = 	snop  }
0x3b: {  	_ = 	snop  }
0x3c: {  	p2 =	seq.s32 s10, $0x1;
	s10 =	sld [smem:$0x3F94]  }
0x3d: {  	_ =	shalt  }
0x3e: {  	_ =	shalt  }
0x3f: {  	_ =	shalt  }
0x40: {  	_ =	shalt  }
0x41: {  	_ =	shalt  }
0x42: {  	_ =	shalt  }
0x43: {  	_ =	shalt  }
0x44: {  	_ =	shalt  }
0x45: {  	_ =	shalt  }
0x46: {  	_ =	shalt  }
0x47: {  	_ =	shalt  }
0x48: {  	_ =	shalt  }
0x49: {  	_ =	shalt  }
0x4a: {  	_ =	shalt  }
0x4b: {  	_ =	shalt  }
0x4c: {  	_ =	shalt  }
0x4d: {  	_ =	shalt  }
0x4e: {  	_ =	shalt  }
0x4f: {  	_ =	shalt  }
0x50: {  	_ =	shalt  }
0x51: {  	_ =	shalt  }
0x52: {  	_ =	shalt  }
0x53: {  	_ =	shalt  }
0x54: {  	_ =	shalt  }
0x55: {  	_ =	shalt  }
0x56: {  	_ =	shalt  }
0x57: {  	_ =	shalt  }
0x58: {  	_ =	shalt  }
0x59: {  	_ =	shalt  }
0x5a: {  	_ =	shalt  }
0x5b: {  	_ =	shalt  }
0x5c: {  	_ =	shalt  }
0x5d: {  	_ =	shalt  }
0x5e: {  	_ =	shalt  }
0x5f: {  	_ =	shalt  }
0x60: {  	_ =	shalt  }
0x61: {  	_ =	shalt  }
0x62: {  	_ =	shalt  }
0x63: {  	_ =	shalt  }
0x64: {  	_ =	shalt  }
0x65: {  	_ =	shalt  }
0x66: {  	_ =	shalt  }
0x67: {  	_ =	shalt  }
0x68: {  	_ =	shalt  }
0x69: {  	_ =	shalt  }
0x6a: {  	_ =	shalt  }
0x6b: {  	_ =	shalt  }
0x6c: {  	_ =	shalt  }
0x6d: {  	_ =	shalt  }
0x6e: {  	_ =	shalt  }
0x6f: {  	_ =	shalt  }
0x70: {  	_ =	shalt  }
0x71: {  	_ =	shalt  }
0x72: {  	_ =	shalt  }
0x73: {  	_ =	shalt  }
0x74: {  	_ =	shalt  }
0x75: {  	_ =	shalt  }
0x76: {  	_ =	shalt  }
0x77: {  	_ =	shalt  }
0x78: {  	_ =	shalt  }
0x79: {  	_ =	shalt  }
0x7a: {  	_ =	shalt  }
0x7b: {  	_ =	shalt  }
0x7c: {  	_ =	shalt  }
0x7d: {  	_ =	shalt  }
0x7e: {  	_ =	shalt  }
0x7f: {  	_ =	shalt  }
0x80: {  	_ =	shalt  }
0x81: {  	_ =	shalt  }
0x82: {  	_ =	shalt  }
0x83: {  	_ =	shalt  }
0x84: {  	_ =	shalt  }
0x85: {  	_ =	shalt  }
0x86: {  	_ =	shalt  }
0x87: {  	_ =	shalt  }
.Lfunc_end0:
.L_simem_size_0:
called_computation_lowered:
.L_overlay_start_0:
0x88: {  	s2 =	sld [smem:$0x3FD9]  }
0x89: {  	s3 =	sld [smem:$0x3FFE];
	_ =	sdelay $0x1  }
0x8a: {  	s1 =	srdreg.scid  }
0x8b: {  	s0 =	sand.u32 $0x1, s1  }
0x8c: {  	s17 =	sshll.u32 s0, $0xA;
	s2 =	sadd.s32 s3, s2  }
0x8d: {  	s2 =	sadd.s32 s2, s17  }
0x8e: {  	[smem:$0x3FA0] =	sst s2  }
0x8f: {  	_ = 	snop  }
0x90: {  	s2 =	sld [smem:$0x3FD0];
	(tm) =	ssettm $0x1  }
0x91: {  	s18 =	sld [smem:$0x3FFB];
	_ =	sdelay $0x3  }
0x92: {  	_ =	strace s18  }
0x93: {  	s3 =	sld [smem:$0x3FFC];
	_ =	sdelay $0x3  }
0x94: {  	_ =	strace s3  }
0x95: {  	s3 =	sld [smem:$0x3FFD];
	_ =	sdelay $0x3  }
0x96: {  	_ =	strace s3  }
0x97: {  	_ =	strace $0x8FFFFFFF  }
0x98: {  	s19 =	sld [smem:$0x3FDB];
	_ =	sdelay $0x1  }
0x99: {  	s4 =	simm.s32 $_scs_section_size  }
0x9a: {  	s5 =	simm.s32 $_size__tile_overlayer_lowered;
	s6 =	simm.s32 $_tile_overlayer_lowered  }
0x9b: {  	s22 =	simm.s32 $0x1BFF;
	s21 =	sshll.u32 s6, $0x1;
	s3 =	sadd.s32 s4, s19  }
0x9c: {  	s7 =	simm.s32 $0x0;
	s20 =	sshll.u32 s5, $0x1;
	s5 =	sadd.s32 s21, s3  }
0x9d: {  	[timem:s7], [sflag:s22] =	dma.local [hbm:s5], s20  }
0x9e: {  	_ =	swait.ge [sflag:s22], s20  }
0x9f: {  	s4 =	ssub.s32 $0x0, s20;
	[sflag:s22] =	ssyncset.done $0x0  }
0xa0: {  	[sflag:s22] =	ssyncadd.s32 s4;
	_ =	sdelay $0x1  }
0xa1: {  	s23 =	simm.s32 $0x1B8B  }
0xa2: {  	_ =	swait.ge [sflag:s23], $0x1  }
0xa3: {  	[sflag:s23] =	ssyncset.done $0x0  }
0xa4: {  	s25 =	simm.s32 $0x1B8E;
	s24 =	sld [smem:$0x3FFE];
	[sflag:s23] =	ssyncadd.s32 $0xFFFFFFFF  }
0xa5: {  	s26 =	simm.s32 $execute0_lowered;
	[smem:$0x3FD2] =	sst s25  }
0xa6: {  	s5 =	sshll.u32 s26, $0x1;
	_ =	strace $0x80000046;
	[dreg:$0x1] =	wrdreg $0xFFFFFFFF  }
0xa7: {  	s28 =	simm.s32 $_size_execute0_lowered;
	s3 =	sadd.s32 s3, s5;
	[dreg:$0x0] =	wrdreg $0x0  }
0xa8: {  	s5 =	sshll.u32 s28, $0x1;
	[dreg:$0x2] =	wrdreg s3  }
0xa9: {  	[dreg:$0x3] =	wrdreg s5  }
0xaa: {  	[dreg:$0x4] =	wrdreg $0xC0  }
0xab: {  	_ =	task [dreg:s7], $0x5FFFF  }
0xac: {  	[dreg:$0x1] =	wrdreg $0xFFFFFFFF  }
0xad: {  	[dreg:$0x0] =	wrdreg $0x60  }
0xae: {  	[dreg:$0x2] =	wrdreg s24  }
0xaf: {  	[dreg:$0x3] =	wrdreg s2  }
0xb0: {  	[dreg:$0x4] =	wrdreg $0x9  }
0xb1: {  	_ =	task.clear_ibuf [dreg:s7], $0x5FFFF;
	_ =	strace $0x90000046  }
0xb2: {  	s29 =	simm.s32 $0x9;
	_ =	strace $0x80000048  }
0xb3: {  	_ =	swait.ge [sflag:s29], $0x1  }
0xb4: {  	[sflag:s29] =	ssyncadd.s32 $0xFFFFFFFF  }
0xb5: {  	_ =	strace $0x90000048  }
0xb6: {  	_ =	sfence  }
0xb7: {  	s30 =	sld [smem:$0x0];
	_ =	sdelay $0x2  }
0xb8: {  	s31 =	sshll.u32 s1, $0xD;
	s1 =	sshrl.u32 s1, $0x2  }
0xb9: {  	s3 =	sand.u32 $0x4000, s31;
	s1 =	sadd.s32 s1, s30  }
0xba: {  	s0 =	sor.u32 s3, s0;
	s1 =	sshll.u32 s1, $0x11  }
0xbb: {  	s0 =	sor.u32 s1, s0  }
0xbc: {  	s0 =	sadd.s32 $0x8F2B, s0  }
0xbd: {  	[sflag:s0] =	ssyncadd.remote.s32 $0x1  }
0xbe: {  	_ =	sfence.sel $0xFFFF  }
0xbf: {  	[dreg:$0x0] =	wrdreg $0xFFFFFFFF;
	(pc) =	sbr.abs _section_cstart, $3  }
0xc0: {  	[dreg:$0x1] =	wrdreg $0xFFFFFFFF  }
0xc1: {  	_ =	task.clear_ibuf [dreg:s7], $0x2FFFF;
	_ =	strace $0x9FFFFFFF  }
0xc2: {  	(tm) =	ssettm $0x7FFFFFFF  }
0xc3: {  	_ =	shalt  }
tec
execute0_lowered:
.L_overlay_start_1:
0x0: {  	(tag) =	ssettag $0x1  }
0x1: {  	s5 =	rddreg [dreg:$0x0]  }
0x2: {  	s2 =	rddreg [dreg:$0x1]  }
0x3: {  	s0 =	rddreg [dreg:$0x2];
	s3 =	simm.s32 $0x0;
	s4 =	srdreg.scid  }
0x4: {  	s1 =	stileid.u32;
	s12 =	simm.s32 $0x1;
	s13 =	simm.s32 $0x2780  }
0x5: {  	s14 =	simm.s32 $0xC580;
	s15 =	simm.s32 $0xC600;
	s16 =	simm.s32 $0xC780  }
0x6: {  	s17 =	simm.s32 $0xF000;
	s18 =	simm.s32 $0x11880;
	s19 =	simm.s32 $0x14100  }
0x7: {  	[smem:$0x7FF] =	sst s3;
	s4 =	sand.u32 $0x1, s4;
	s6 =	sshll.u32 s1, $0x1  }
0x8: {  	s20 =	simm.s32 $0x0;
	_ =	strace $0x80000047;
	s6 =	sor.u32 s4, s6  }
0x9: {  	s8 =	ssub.s32 $0x2, s4;
	s7 =	sshll.u32 s6, $0x3;
	s6 =	smul.u32 $0x500, s6  }
0xa: {  	s4 =	sadd.s32 $0x7800, s5;
	s9 =	sshrl.u32 s8, $0x1;
	s7 =	sadd.s32 s7, s5  }
0xb: {  	s11 =	ssub.s32 s8, s9;
	s10 =	sadd.s32 s6, s5;
	s5 =	sadd.s32 $0x7E00, s7  }
0xc: {  	v0 =	vimm.s32 $0x0;
	s6 =	sadd.s32 $0x8000, s7;
	s11 =	smax.u32 s11, $0x1;
	s7 =	sadd.s32 $0x26200, s10  }
0xd: {  	v1 =	vimm.f32 $0.0e+00;
	v2 =	vlaneseq.u32;
	v3 =	vimm.f32 $1.000000000e+00;
	s8 =	sadd.s32 $0x8200, s10;
	s9 =	sadd.s32 $0x12200, s10;
	s10 =	sadd.s32 $0x1C200, s10  }
.LBB2_1:
0xe: {  	[tilespmem:s3], [sflag:$0x1] =	stream.linear.gather [hbm4b:s4+s3], $0x2780, $0x38;
	[tilespmem:$0x16980] =	vst v63  }
0xf: {  	_ =	swait.ge [sflag:s12], $0x2780  }
0x10: {  	[sflag:s12] =	ssyncset.done $0x0  }
0x11: {  	[sflag:s12] =	ssyncadd.s32 $0xFFFFD880  }
0x12: {  	[tilespmem:s13], [sflag:$0x1] =	stream.linear.gather [hbm4b:s2+s3], $0x2780, $0x38;
	[tilespmem:$0x16980] =	vst v63  }
0x13: {  	_ =	swait.ge [sflag:s12], $0x2780  }
0x14: {  	[sflag:s12] =	ssyncset.done $0x0  }
0x15: {  	[sflag:s12] =	ssyncadd.s32 $0xFFFFD880  }
0x16: {  	[tilespmem:s14], [sflag:$0x1] =	stream.linear.gather [hbm4b:s5+s3], $0x40, $0x38;
	[tilespmem:$0x16980] =	vst v63  }
0x17: {  	_ =	swait.ge [sflag:s12], $0x40  }
0x18: {  	[sflag:s12] =	ssyncset.done $0x0  }
0x19: {  	[sflag:s12] =	ssyncadd.s32 $0xFFFFFFC0  }
0x1a: {  	[tilespmem:s15], [sflag:$0x1] =	stream.linear.gather [hbm4b:s6+s3], $0x40, $0x38;
	[tilespmem:$0x16980] =	vst v63  }
0x1b: {  	_ =	swait.ge [sflag:s12], $0x40  }
0x1c: {  	[sflag:s12] =	ssyncset.done $0x0  }
0x1d: {  	s22 =	simm.s32 $0x0;
	[sflag:s12] =	ssyncadd.s32 $0xFFFFFFC0  }
0x1e: {  	v4 =	vld [tilespmem:s22+$0x2780]  }
0x1f: {  	v5 =	vld [tilespmem:s22+$0x0];
	_ =	sdelay $0x3  }
0x20: {  	v6 =	vshrl.u32 v4, $0x10  }
0x21: {  	s21 =	simm.s32 $0x10;
	v7 =	vshrl.u32 v5, $0x10;
	v6 =	vand.u32 $0x1, v6  }
0x22: {  	v8 =	vmul.f32 v4, v4;
	v7 =	vand.u32 $0x1, v7;
	v6 =	vadd.s32 v6, v4;
	v4 =	vld [tilespmem:s21+$0x2780]  }
0x23: {  	v9 =	vmul.f32 v5, v5;
	v7 =	vadd.s32 v7, v5;
	v5 =	vld [tilespmem:s21+$0x0]  }
0x24: {  	v6 =	vadd.s32 $0x7FFF, v6  }
0x25: {  	v7 =	vadd.s32 $0x7FFF, v7;
	v10 =	vand.u32 $0xFFFF0000, v6  }
0x26: {  	s23 =	simm.s32 $0x80;
	v6 =	vadd.f32 v8, v9;
	v7 =	vand.u32 $0xFFFF0000, v7;
	[tilespmem:s22+$0x9E00] =	vst v10  }
.LBB2_2:
0x27: {  	s24 =	sshra.s32 s23, $0x2;
	p0 =	sne.s32 s23, $0x9C00;
	s23 =	sadd.s32 $0x40, s23;
	v8 =	vmul.f32 v4, v4;
	v9 =	vshrl.u32 v4, $0x10;
	[tilespmem:s22+$0x7680] =	vst v7;
	v7 =	vmov v4  }
.Ltmp0:
0x28: {  	v4 =	vld [tilespmem:s24+$0x2780];
	v10 =	vmul.f32 v5, v5;
	v11 =	vshrl.u32 v5, $0x10;
	v9 =	vand.u32 $0x1, v9;
	[tilespmem:s22+$0x4F00] =	vst v6;
	v12 =	vmovc v5;
	s22 =	smov.u32 s21;
	s21 =	smov.u32 s24;
	(pc) =	sbr.rel @p0 .LBB2_2-.Ltmp0, $4  }
0x29: {  	v5 =	vld [tilespmem:s21+$0x0];
	v11 =	vand.u32 $0x1, v11;
	v7 =	vadd.s32 v9, v7  }
0x2a: {  	v6 =	vadd.f32 v8, v10;
	v8 =	vadd.s32 v11, v12;
	v7 =	vadd.s32 $0x7FFF, v7  }
0x2b: {  	v8 =	vadd.s32 $0x7FFF, v8;
	v9 =	vand.u32 $0xFFFF0000, v7  }
0x2c: {  	v7 =	vand.u32 $0xFFFF0000, v8;
	[tilespmem:s22+$0x9E00] =	vst v9  }
0x2d: {  	v8 =	vshrl.u32 v4, $0x10  }
0x2e: {  	v10 =	vmul.f32 v4, v4;
	v8 =	vand.u32 $0x1, v8  }
0x2f: {  	v9 =	vshrl.u32 v5, $0x10;
	v42 =	vmul.f32 v5, v5;
	v4 =	vadd.s32 v8, v4  }
0x30: {  	[tilespmem:s22+$0x7680] =	vst v7;
	v9 =	vand.u32 $0x1, v9;
	v4 =	vadd.s32 $0x7FFF, v4  }
0x31: {  	[tilespmem:s22+$0x4F00] =	vst v6;
	v5 =	vadd.s32 v9, v5;
	v43 =	vadd.f32 v10, v42;
	v4 =	vand.u32 $0xFFFF0000, v4  }
0x32: {  	v5 =	vadd.s32 $0x7FFF, v5;
	[tilespmem:s21+$0x9E00] =	vst v4  }
0x33: {  	v5 =	vand.u32 $0xFFFF0000, v5;
	[tilespmem:s21+$0x4F00] =	vst v43  }
0x34: {  	[tilespmem:s21+$0x7680] =	vst v5  }
0x35: {  	v4 =	vld [tilespmem:$0xC580]  }
0x36: {  	v5 =	vld [tilespmem:$0xC600]  }
0x37: {  	v6 =	vld [tilespmem:$0xC590]  }
0x38: {  	v44 =	vld [tilespmem:$0xC610]  }
0x39: {  	v45 =	vld [tilespmem:$0xC5A0]  }
0x3a: {  	v12 =	vld [tilespmem:$0xC620]  }
0x3b: {  	v52 =	vld [tilespmem:$0xC5B0]  }
0x3c: {  	v53 =	vld [tilespmem:$0xC630];
	_ =	sdelay $0x1  }
0x3d: {  	v46 =	vshrl.u32 v4, $0x10  }
0x3e: {  	v47 =	vshrl.u32 v5, $0x10;
	v48 =	vshrl.u32 v6, $0x10;
	v49 =	vshrl.u32 v44, $0x10  }
0x3f: {  	v11 =	vshrl.u32 v45, $0x10;
	v55 =	vshrl.u32 v12, $0x10;
	v57 =	vshrl.u32 v52, $0x10  }
0x40: {  	v60 =	vshrl.u32 v53, $0x10;
	v9 =	vand.u32 $0x1, v46;
	v10 =	vand.u32 $0x1, v47  }
0x41: {  	v50 =	vand.u32 $0x1, v49;
	v51 =	vand.u32 $0x1, v11;
	v56 =	vand.u32 $0x1, v55  }
0x42: {  	v59 =	vand.u32 $0x1, v57;
	v62 =	vand.u32 $0x1, v60;
	v4 =	vadd.s32 v9, v4  }
0x43: {  	v5 =	vadd.s32 v10, v5;
	v9 =	vand.u32 $0x1, v48;
	v4 =	vadd.s32 $0x7FFF, v4  }
0x44: {  	v6 =	vadd.s32 v9, v6;
	v5 =	vadd.s32 $0x7FFF, v5;
	v4 =	vand.u32 $0xFFFF0000, v4  }
0x45: {  	v7 =	vadd.s32 v50, v44;
	v6 =	vadd.s32 $0x7FFF, v6;
	v5 =	vand.u32 $0xFFFF0000, v5;
	[tilespmem:$0xC680] =	vst v4  }
0x46: {  	v8 =	vadd.s32 v51, v45;
	v7 =	vadd.s32 $0x7FFF, v7;
	v6 =	vand.u32 $0xFFFF0000, v6;
	[tilespmem:$0xC700] =	vst v5  }
0x47: {  	v58 =	vadd.s32 v56, v12;
	v54 =	vadd.s32 $0x7FFF, v8;
	v4 =	vand.u32 $0xFFFF0000, v7;
	[tilespmem:$0xC690] =	vst v6  }
0x48: {  	v61 =	vadd.s32 v59, v52;
	v5 =	vand.u32 $0xFFFF0000, v54;
	[tilespmem:$0xC710] =	vst v4;
	v4 =	vadd.s32 $0x7FFF, v58  }
0x49: {  	v63 =	vadd.s32 v62, v53;
	[tilespmem:$0xC6A0] =	vst v5;
	v5 =	vadd.s32 $0x7FFF, v61;
	v4 =	vand.u32 $0xFFFF0000, v4  }
0x4a: {  	[tilespmem:$0xC720] =	vst v4;
	v4 =	vand.u32 $0xFFFF0000, v5;
	v5 =	vadd.s32 $0x7FFF, v63  }
0x4b: {  	[tilespmem:$0xC6B0] =	vst v4;
	v4 =	vand.u32 $0xFFFF0000, v5  }
0x4c: {  	s23 =	simm.s32 $0x40;
	s22 =	simm.s32 $0x0;
	s21 =	simm.s32 $0x0;
	[tilespmem:$0xC730] =	vst v4  }
.LBB2_4:
0x4d: {  	p0 =	sne.s32 s23, $0xA000;
	[tilespmem:s22+$0x14100] =	vst v1;
	s24 =	smov.u32 s23;
	s23 =	sadd.s32 $0x40, s23  }
.Ltmp1:
0x4e: {  	[tilespmem:s22+$0x11880] =	vst v1;
	(pc) =	sbr.rel @p0 .LBB2_4-.Ltmp1, $3  }
0x4f: {  	[tilespmem:s22+$0xC780] =	vst v0  }
0x50: {  	[tilespmem:s22+$0xF000] =	vst v1;
	_ =	sdelay $0x1  }
0x51: {  	s22 =	sshra.s32 s24, $0x2  }
0x52: {  	[tilespmem:s22+$0x14100] =	vst v1  }
0x53: {  	[tilespmem:s22+$0x11880] =	vst v1  }
0x54: {  	[tilespmem:s22+$0xC780] =	vst v0  }
0x55: {  	[tilespmem:s22+$0xF000] =	vst v1  }
.LBB2_6:
0x56: {  	v8 =	vld [tilespmem:s21+$0xC580]  }
0x57: {  	v9 =	vld [tilespmem:s21+$0xC600];
	_ =	sdelay $0x3  }
0x58: {  	(v2sf) =	vpush v8, $0x0  }
0x59: {  	(v2sf) =	vpush v9, $0x0;
	_ =	sdelay $0x8  }
0x5a: {  	v4 =	vld.msk [tilespmem:s21+$0xC680 ss:$0x0], $0xffff  }
0x5b: {  	v5 =	vld.msk [tilespmem:s21+$0xC700 ss:$0x0], $0xffff;
	s22 =	simm.s32 $0x9E00  }
0x5c: {  	s23 =	simm.s32 $0x7680;
	v6 =	vld [tilespmem:s22+$0x0]  }
0x5d: {  	v7 =	vld [tilespmem:s23+$0x0];
	_ =	sdelay $0x1  }
0x5e: {  	s24 =	spop (v2sf)  }
0x5f: {  	s25 =	spop (v2sf);
	s22 =	smul.f32 s24, s24;
	s24 =	simm.s32 $0x4F00  }
0x60: {  	s23 =	smul.f32 s25, s25;
	v10 =	vld [tilespmem:s24+$0x0]  }
0x61: {  	v6 =	vmul.f32 v6, v5;
	v7 =	vmul.f32 v7, v4  }
0x62: {  	s22 =	sadd.f32 s23, s22  }
0x63: {  	v6 =	vadd.f32 v6, v7  }
0x64: {  	v7 =	vmov s22  }
0x65: {  	v6 =	vadd.f32 v6, v6;
	v10 =	vadd.f32 v10, v7;
	_ =	sdelay $0x1  }
0x66: {  	v6 =	vsub.f32 v10, v6  }
0x67: {  	s26 =	smul.u32 $0xA0, s21;
	s22 =	simm.s32 $0x0  }
0x68: {  	s23 =	simm.s32 $0x2780;
	v10 =	vld [tilespmem:s22+$0x0];
	vm0 =	vle.f32 v6, $2.499999940e-03  }
0x69: {  	v11 =	vld [tilespmem:s23+$0x0];
	v6 =	vmov s26;
	v12 =	vmpcnt.ones.xlane vm0;
	_ =	sdelay $0x1  }
0x6a: {  	v8 =	vbroadcast v8, $0x0;
	(v2sf) =	vpush v12, $0x0  }
0x6b: {  	v9 =	vbroadcast v9, $0x0  }
0x6c: {  	v63 =	vor.u32 s22, v2;
	v10 =	vsub.f32 v8, v10  }
0x6d: {  	v11 =	vsub.f32 v9, v11;
	[tilespmem:v6+s22+$0xC780 ss:$0x1] =	vst.idx.msk vm0, v63  }
0x6e: {  	[tilespmem:v6+s22+$0xF000 ss:$0x1] =	vst.idx.msk vm0, v10  }
0x6f: {  	[tilespmem:v6+s22+$0x11880 ss:$0x1] =	vst.idx.msk vm0, v11  }
0x70: {  	s25 =	simm.s32 $0x9E10;
	[tilespmem:v6+s22+$0x14100 ss:$0x1] =	vst.idx.msk vm0, v3  }
0x71: {  	s28 =	simm.s32 $0x7690;
	v10 =	vld [tilespmem:s25+$0x0]  }
0x72: {  	v11 =	vld [tilespmem:s28+$0x0];
	_ =	sdelay $0x2  }
0x73: {  	s29 =	simm.s32 $0x4F10  }
0x74: {  	v12 =	vld [tilespmem:s29+$0x0]  }
0x75: {  	v10 =	vmul.f32 v10, v5;
	v11 =	vmul.f32 v11, v4;
	_ =	sdelay $0x1  }
0x76: {  	v11 =	vadd.f32 v10, v11;
	s31 =	spop (v2sf)  }
0x77: {  	s24 =	sadd.s32 $0x0, s31  }
0x78: {  	s30 =	simm.s32 $0x20;
	s26 =	simm.s32 $0x10;
	v10 =	vadd.f32 v12, v7;
	v11 =	vadd.f32 v11, v11;
	p1 =	slt.s32 s24, $0xA0  }
.LBB2_7:
0x79: {  	s24 =	simm.s32 @!p1 $0xA0;
	s22 =	sadd.s32 $0x10, s22;
	s23 =	sadd.s32 $0x10, s23  }
0x7a: {  	p0 =	sne.s32 s30, $0x2700;
	s31 =	smov.u32 s30;
	s30 =	sadd.s32 $0x10, s30;
	v10 =	vsub.f32 v10, v11  }
0x7b: {  	_ = 	snop  }
0x7c: {  	v11 =	vld [tilespmem:s22+$0x0];
	vm0 =	vle.f32 v10, $2.499999940e-03  }
0x7d: {  	v10 =	vld [tilespmem:s23+$0x0];
	v12 =	vmpcnt.ones.xlane vm0;
	_ =	sdelay $0x1  }
0x7e: {  	(v2sf) =	vpush v12, $0x0;
	_ =	sdelay $0x1  }
0x7f: {  	v12 =	vor.u32 s26, v2;
	s26 =	smov.u32 s31;
	v11 =	vsub.f32 v8, v11  }
0x80: {  	v10 =	vsub.f32 v9, v10;
	[tilespmem:v6+s24+$0xC780 ss:$0x1] =	vst.idx.msk vm0, v12  }
0x81: {  	[tilespmem:v6+s24+$0xF000 ss:$0x1] =	vst.idx.msk vm0, v11  }
0x82: {  	[tilespmem:v6+s24+$0x11880 ss:$0x1] =	vst.idx.msk vm0, v10  }
0x83: {  	s25 =	sadd.s32 $0x10, s25;
	[tilespmem:v6+s24+$0x14100 ss:$0x1] =	vst.idx.msk vm0, v3  }
0x84: {  	s28 =	sadd.s32 $0x10, s28;
	v10 =	vld [tilespmem:s25+$0x0]  }
0x85: {  	v11 =	vld [tilespmem:s28+$0x0];
	_ =	sdelay $0x2  }
0x86: {  	s29 =	sadd.s32 $0x10, s29  }
0x87: {  	v10 =	vmul.f32 v10, v5;
	v12 =	vld [tilespmem:s29+$0x0]  }
.Ltmp2:
0x88: {  	v11 =	vmul.f32 v11, v4;
	(pc) =	sbr.rel @p0 .LBB2_7-.Ltmp2, $4  }
0x89: {  	_ = 	snop  }
0x8a: {  	v11 =	vadd.f32 v10, v11;
	s31 =	spop (v2sf)  }
0x8b: {  	s24 =	sadd.s32 s24, s31  }
0x8c: {  	v10 =	vadd.f32 v12, v7;
	v11 =	vadd.f32 v11, v11;
	p1 =	slt.s32 s24, $0xA0  }
0x8d: {  	_ = 	snop  }
0x8e: {  	v4 =	vsub.f32 v10, v11;
	_ =	sdelay $0x1  }
0x8f: {  	vm0 =	vle.f32 v4, $2.499999940e-03  }
0x90: {  	v4 =	vmpcnt.ones.xlane vm0;
	_ =	sdelay $0x1  }
0x91: {  	(v2sf) =	vpush v4, $0x0;
	_ =	sdelay $0x4  }
0x92: {  	s22 =	sadd.s32 $0x10, s22  }
0x93: {  	s23 =	sadd.s32 $0x10, s23;
	v4 =	vld [tilespmem:s22+$0x0]  }
0x94: {  	v5 =	vld [tilespmem:s23+$0x0];
	_ =	sdelay $0x1  }
0x95: {  	s21 =	sadd.s32 $0x1, s21  }
0x96: {  	p0 =	sne.s32 s21, $0x40  }
.Ltmp3:
0x97: {  	s24 =	simm.s32 @!p1 $0xA0;
	v7 =	vor.u32 s26, v2;
	v4 =	vsub.f32 v8, v4;
	(pc) =	sbr.rel @p0 .LBB2_6-.Ltmp3, $4  }
0x98: {  	v5 =	vsub.f32 v9, v5;
	[tilespmem:v6+s24+$0xC780 ss:$0x1] =	vst.idx.msk vm0, v7  }
0x99: {  	[tilespmem:v6+s24+$0xF000 ss:$0x1] =	vst.idx.msk vm0, v4  }
0x9a: {  	[tilespmem:v6+s24+$0x11880 ss:$0x1] =	vst.idx.msk vm0, v5  }
0x9b: {  	[tilespmem:v6+s24+$0x14100 ss:$0x1] =	vst.idx.msk vm0, v3;
	s31 =	spop (v2sf)  }
0x9c: {  	[hbm4b:s7+s3] =	stream.linear.scatter [tilespmem:s16], [sflag:$0x1], $0x2800, $0x38;
	[tilespmem:$0x16980] =	vst v63  }
0x9d: {  	_ =	swait.ge [sflag:s12], $0x2800  }
0x9e: {  	[sflag:s12] =	ssyncset.done $0x0  }
0x9f: {  	[sflag:s12] =	ssyncadd.s32 $0xFFFFD800  }
0xa0: {  	[hbm4b:s8+s3] =	stream.linear.scatter [tilespmem:s17], [sflag:$0x1], $0x2800, $0x38;
	[tilespmem:$0x16980] =	vst v63  }
0xa1: {  	_ =	swait.ge [sflag:s12], $0x2800  }
0xa2: {  	[sflag:s12] =	ssyncset.done $0x0  }
0xa3: {  	[sflag:s12] =	ssyncadd.s32 $0xFFFFD800  }
0xa4: {  	[hbm4b:s9+s3] =	stream.linear.scatter [tilespmem:s18], [sflag:$0x1], $0x2800, $0x38;
	[tilespmem:$0x16980] =	vst v63  }
0xa5: {  	s20 =	sadd.s32 $0x1, s20;
	_ =	swait.ge [sflag:s12], $0x2800  }
0xa6: {  	p0 =	sne.s32 s20, s11;
	[sflag:s12] =	ssyncset.done $0x0  }
.Ltmp4:
0xa7: {  	[sflag:s12] =	ssyncadd.s32 $0xFFFFD800;
	(pc) =	sbr.rel @p0 .LBB2_1-.Ltmp4, $4  }
0xa8: {  	[hbm4b:s10+s3] =	stream.linear.scatter [tilespmem:s19], [sflag:$0x1], $0x2800, $0x38;
	[tilespmem:$0x16980] =	vst v63  }
0xa9: {  	_ =	swait.ge [sflag:s12], $0x2800  }
0xaa: {  	[sflag:s12] =	ssyncset.done $0x0  }
0xab: {  	[sflag:s12] =	ssyncadd.s32 $0xFFFFD800  }
0xac: {  	_ =	sfence.sel $0x180000  }
0xad: {  	[bflag:$0x0] =	sbarrier.arrive $0xFFFF  }
0xae: {  	p0 =	sne.s32 s1, $0x0;
	_ =	strace $0x90000047  }
0xaf: {  	s0 =	sadd.s32 @!p0 $0x100000, s0;
	[bflag:$0x2] =	sbarrier.arrive $0xFFFF  }
0xb0: {  	[sflag:s0] =	ssyncadd.tile.s32 @!p0 $0x1;
	_ =	shalt  }
.Lfunc_end2:
_tile_overlayer_lowered:
.L_overlay_start_2:
0xb1: {  	(tag) =	ssettag $0x2  }
0xb2: {  	s0 =	rddreg [dreg:$0x0];
	s2 =	stileid.u32  }
0xb3: {  	s1 =	rddreg [dreg:$0x1];
	p0 =	sne.s32 s2, $0x0  }
0xb4: {  	s3 =	rddreg [dreg:$0x2];
	[bflag:$0x3] =	sbarrier.arrive $0xFFFF;
	s2 =	simm.s32 @!p0 $0x1C01  }
0xb5: {  	[timem:s3], [sflag:s2] =	dma.local @!p0 [hbm:s0], s1  }
0xb6: {  	s0 =	simm.s32 @!p0 $0x1  }
0xb7: {  	_ =	swait.ge @!p0 [sflag:s0], s1  }
0xb8: {  	s1 =	ssub.s32 @!p0 $0x0, s1;
	[sflag:s0] =	ssyncset.done @!p0 $0x0  }
0xb9: {  	[sflag:s0] =	ssyncadd.s32 @!p0 s1  }
0xba: {  	[bflag:$0x3] =	sbarrier.arrive $0xFFFF  }
0xbb: {  	_ =	shalt  }

// kernel: kernel.13.cloned.1.call-start
scs
__scs_entry_jumppad:
0x0: {  	(pc) =	sbr.rel $0x88, $3  }
0x1: {  	(tag) =	ssettag $0x0;
	lr =	simm.s32 $0x1  }
0x2: {  	[smem:$0x3F79] =	sst lr;
	_ =	strace $0xD0000000  }
0x3: {  	_ = 	snop  }
0x4: {  	_ = 	snop  }
0x5: {  	_ = 	snop  }
0x6: {  	_ = 	snop  }
0x7: {  	_ = 	snop  }
__scs_overlays_trampoline_lowered:
0x8: {  	[smem:$0x3F88] =	sst s0  }
0x9: {  	[smem:$0x3F89] =	sst s1  }
0xa: {  	[smem:$0x3F8A] =	sst s2  }
0xb: {  	[smem:$0x3F8B] =	sst s3  }
0xc: {  	[smem:$0x3F8C] =	sst s4  }
0xd: {  	[smem:$0x3F8D] =	sst s5  }
0xe: {  	[smem:$0x3F8E] =	sst s6  }
0xf: {  	[smem:$0x3F8F] =	sst s7  }
0x10: {  	[smem:$0x3F90] =	sst s8  }
0x11: {  	[smem:$0x3F91] =	sst s9;
	s0 =	simm.s32 @!p0 $0x0  }
0x12: {  	s1 =	sld [smem:$0x3F77];
	s0 =	simm.s32 @p0 $0x1  }
0x13: {  	[smem:$0x3F92] =	sst s0;
	s0 =	simm.s32 @!p1 $0x0  }
0x14: {  	s2 =	sld [smem:$0x3F76];
	s0 =	simm.s32 @p1 $0x1  }
0x15: {  	[smem:$0x3F93] =	sst s0;
	s0 =	simm.s32 @!p2 $0x0  }
0x16: {  	s3 =	sld [smem:$0x3FDB];
	s0 =	simm.s32 @p2 $0x1  }
0x17: {  	s4 =	simm.s32 $0x1BF5;
	[smem:$0x3F95] =	sst s0  }
0x18: {  	s0 =	sld [smem:$0x3F78];
	_ =	swait.ge [sflag:s4], $0x0  }
0x19: {  	s7 =	sld [smem:$0x3F79]  }
0x1a: {  	s8 =	sadd.s32 $0xFFFFE003, lr  }
0x1b: {  	s9 =	sadd.s32 $0xFFFFFEF7, lr;
	s5 =	simm.s32 $0xFFFFFFFF;
	p2 =	slt.u32 s8, $0xFFFFF086  }
0x1c: {  	p1 =	slt.u32 s9, $0xF7A;
	s5 =	simm.s32 @!p2 $0x0  }
0x1d: {  	s5 =	simm.s32 @p1 $0x1;
	p0 =	seq.s32 s7, s2  }
0x1e: {  	s7 =	smul.u32 @!p0 $0xF7A, s2;
	p2 =	seq.s32 @!p0 s5, $0x0  }
0x1f: {  	s9 =	smul.u32 $0xF7A, s1;
	s8 =	simm.s32 @!p0 $0x1BF5;
	p2 =	por !p2, p0  }
0x20: {  	[sflag:s8] =	ssyncset.s32 @!p0 $0xFFFFF086;
	s6 =	sadd.s32 @!p0 s3, s7;
	s7 =	simm.s32 @!p0 $0x108  }
0x21: {  	s3 =	sadd.s32 s3, s9;
	s6 =	sadd.s32 @!p0 $0x88, s6;
	s7 =	simm.s32 @p2 $0x1082  }
0x22: {  	[simem:s7], [sflag:s8] =	dma.local @!p0 [hbm:s6], $0xF7A  }
0x23: {  	s9 =	sor.u32 $0xD0000000, s2;
	s6 =	simm.s32 $0x108;
	_ =	swait.ge @!p0 [sflag:s8], $0x0  }
0x24: {  	s3 =	sadd.s32 $0x88, s3;
	s6 =	simm.s32 @!p1 $0x1082;
	[sflag:s4] =	ssyncset.s32 $0xFFFFF086  }
0x25: {  	[simem:s6], [sflag:s4] =	dma.local [hbm:s3], $0xF7A  }
0x26: {  	[smem:$0x3F79] =	sst s1;
	(tag) =	ssettag s2;
	_ =	strace s9  }
0x27: {  	s1 =	sld [smem:$0x3F89]  }
0x28: {  	s2 =	sld [smem:$0x3F8A]  }
0x29: {  	s4 =	sld [smem:$0x3F8C]  }
0x2a: {  	p0 =	seq.s32 s5, $0x0;
	s5 =	sld [smem:$0x3F8D]  }
0x2b: {  	s6 =	sld [smem:$0x3F8E]  }
0x2c: {  	s7 =	sld [smem:$0x3F8F]  }
0x2d: {  	s3 =	simm.s32 $0x108;
	s8 =	sld [smem:$0x3F90]  }
0x2e: {  	s3 =	simm.s32 @!p0 $0x1082;
	s9 =	sld [smem:$0x3F91]  }
0x2f: {  	lr =	sadd.s32 s0, s3;
	s0 =	sld [smem:$0x3F88]  }
0x30: {  	s3 =	sld [smem:$0x3F8B]  }
0x31: {  	[smem:$0x3F94] =	sst s10  }
0x32: {  	s10 =	sld [smem:$0x3F92];
	_ =	sdelay $0x3  }
0x33: {  	p0 =	seq.s32 s10, $0x1;
	s10 =	sld [smem:$0x3F94];
	_ =	sdelay $0x3  }
0x34: {  	[smem:$0x3F94] =	sst s10  }
0x35: {  	s10 =	sld [smem:$0x3F93];
	_ =	sdelay $0x3  }
0x36: {  	p1 =	seq.s32 s10, $0x1;
	s10 =	sld [smem:$0x3F94];
	_ =	sdelay $0x3  }
0x37: {  	[smem:$0x3F94] =	sst s10  }
0x38: {  	s10 =	sld [smem:$0x3F95]  }
0x39: {  	_ = 	snop;
	(pc) =	sbr.ind lr, $3  }
0x3a: {  	_ = 	snop  }
0x3b: {  	_ = 	snop  }
0x3c: {  	p2 =	seq.s32 s10, $0x1;
	s10 =	sld [smem:$0x3F94]  }
0x3d: {  	_ =	shalt  }
0x3e: {  	_ =	shalt  }
0x3f: {  	_ =	shalt  }
0x40: {  	_ =	shalt  }
0x41: {  	_ =	shalt  }
0x42: {  	_ =	shalt  }
0x43: {  	_ =	shalt  }
0x44: {  	_ =	shalt  }
0x45: {  	_ =	shalt  }
0x46: {  	_ =	shalt  }
0x47: {  	_ =	shalt  }
0x48: {  	_ =	shalt  }
0x49: {  	_ =	shalt  }
0x4a: {  	_ =	shalt  }
0x4b: {  	_ =	shalt  }
0x4c: {  	_ =	shalt  }
0x4d: {  	_ =	shalt  }
0x4e: {  	_ =	shalt  }
0x4f: {  	_ =	shalt  }
0x50: {  	_ =	shalt  }
0x51: {  	_ =	shalt  }
0x52: {  	_ =	shalt  }
0x53: {  	_ =	shalt  }
0x54: {  	_ =	shalt  }
0x55: {  	_ =	shalt  }
0x56: {  	_ =	shalt  }
0x57: {  	_ =	shalt  }
0x58: {  	_ =	shalt  }
0x59: {  	_ =	shalt  }
0x5a: {  	_ =	shalt  }
0x5b: {  	_ =	shalt  }
0x5c: {  	_ =	shalt  }
0x5d: {  	_ =	shalt  }
0x5e: {  	_ =	shalt  }
0x5f: {  	_ =	shalt  }
0x60: {  	_ =	shalt  }
0x61: {  	_ =	shalt  }
0x62: {  	_ =	shalt  }
0x63: {  	_ =	shalt  }
0x64: {  	_ =	shalt  }
0x65: {  	_ =	shalt  }
0x66: {  	_ =	shalt  }
0x67: {  	_ =	shalt  }
0x68: {  	_ =	shalt  }
0x69: {  	_ =	shalt  }
0x6a: {  	_ =	shalt  }
0x6b: {  	_ =	shalt  }
0x6c: {  	_ =	shalt  }
0x6d: {  	_ =	shalt  }
0x6e: {  	_ =	shalt  }
0x6f: {  	_ =	shalt  }
0x70: {  	_ =	shalt  }
0x71: {  	_ =	shalt  }
0x72: {  	_ =	shalt  }
0x73: {  	_ =	shalt  }
0x74: {  	_ =	shalt  }
0x75: {  	_ =	shalt  }
0x76: {  	_ =	shalt  }
0x77: {  	_ =	shalt  }
0x78: {  	_ =	shalt  }
0x79: {  	_ =	shalt  }
0x7a: {  	_ =	shalt  }
0x7b: {  	_ =	shalt  }
0x7c: {  	_ =	shalt  }
0x7d: {  	_ =	shalt  }
0x7e: {  	_ =	shalt  }
0x7f: {  	_ =	shalt  }
0x80: {  	_ =	shalt  }
0x81: {  	_ =	shalt  }
0x82: {  	_ =	shalt  }
0x83: {  	_ =	shalt  }
0x84: {  	_ =	shalt  }
0x85: {  	_ =	shalt  }
0x86: {  	_ =	shalt  }
0x87: {  	_ =	shalt  }
.Lfunc_end0:
.L_simem_size_0:
called_computation.1_lowered:
.L_overlay_start_0:
0x88: {  	s2 =	sld [smem:$0x3FD9]  }
0x89: {  	s3 =	sld [smem:$0x3FFE];
	_ =	sdelay $0x1  }
0x8a: {  	s1 =	srdreg.scid  }
0x8b: {  	s0 =	sand.u32 $0x1, s1  }
0x8c: {  	s17 =	sshll.u32 s0, $0xA;
	s2 =	sadd.s32 s3, s2  }
0x8d: {  	s2 =	sadd.s32 s2, s17  }
0x8e: {  	[smem:$0x3FA0] =	sst s2  }
0x8f: {  	_ = 	snop  }
0x90: {  	s2 =	sld [smem:$0x3FC7];
	(tm) =	ssettm $0x1  }
0x91: {  	s18 =	sld [smem:$0x3FFB];
	_ =	sdelay $0x3  }
0x92: {  	_ =	strace s18  }
0x93: {  	s3 =	sld [smem:$0x3FFC];
	_ =	sdelay $0x3  }
0x94: {  	_ =	strace s3  }
0x95: {  	s3 =	sld [smem:$0x3FFD];
	_ =	sdelay $0x3  }
0x96: {  	_ =	strace s3  }
0x97: {  	_ =	strace $0x8FFFFFFF  }
0x98: {  	s19 =	sld [smem:$0x3FDB];
	_ =	sdelay $0x1  }
0x99: {  	s4 =	simm.s32 $_scs_section_size  }
0x9a: {  	s5 =	simm.s32 $_size__tile_overlayer_lowered;
	s6 =	simm.s32 $_tile_overlayer_lowered  }
0x9b: {  	s22 =	simm.s32 $0x1BFF;
	s21 =	sshll.u32 s6, $0x1;
	s3 =	sadd.s32 s4, s19  }
0x9c: {  	s7 =	simm.s32 $0x0;
	s20 =	sshll.u32 s5, $0x1;
	s5 =	sadd.s32 s21, s3  }
0x9d: {  	[timem:s7], [sflag:s22] =	dma.local [hbm:s5], s20  }
0x9e: {  	_ =	swait.ge [sflag:s22], s20  }
0x9f: {  	s4 =	ssub.s32 $0x0, s20;
	[sflag:s22] =	ssyncset.done $0x0  }
0xa0: {  	[sflag:s22] =	ssyncadd.s32 s4;
	_ =	sdelay $0x1  }
0xa1: {  	s23 =	simm.s32 $0x1B8B  }
0xa2: {  	_ =	swait.ge [sflag:s23], $0x1  }
0xa3: {  	[sflag:s23] =	ssyncset.done $0x0  }
0xa4: {  	s25 =	simm.s32 $0x1B8E;
	s24 =	sld [smem:$0x3FFE];
	[sflag:s23] =	ssyncadd.s32 $0xFFFFFFFF  }
0xa5: {  	s26 =	simm.s32 $execute0_lowered;
	[smem:$0x3FD2] =	sst s25  }
0xa6: {  	s5 =	sshll.u32 s26, $0x1;
	_ =	strace $0x80000049;
	[dreg:$0x1] =	wrdreg $0xFFFFFFFF  }
0xa7: {  	s28 =	simm.s32 $_size_execute0_lowered;
	s3 =	sadd.s32 s3, s5;
	[dreg:$0x0] =	wrdreg $0x0  }
0xa8: {  	s5 =	sshll.u32 s28, $0x1;
	[dreg:$0x2] =	wrdreg s3  }
0xa9: {  	[dreg:$0x3] =	wrdreg s5  }
0xaa: {  	[dreg:$0x4] =	wrdreg $0xC0  }
0xab: {  	_ =	task [dreg:s7], $0x5FFFF  }
0xac: {  	[dreg:$0x1] =	wrdreg $0xFFFFFFFF  }
0xad: {  	[dreg:$0x0] =	wrdreg $0x60  }
0xae: {  	[dreg:$0x2] =	wrdreg s2  }
0xaf: {  	[dreg:$0x3] =	wrdreg s24  }
0xb0: {  	[dreg:$0x4] =	wrdreg $0x9  }
0xb1: {  	_ =	task.clear_ibuf [dreg:s7], $0x5FFFF;
	_ =	strace $0x90000049  }
0xb2: {  	s29 =	simm.s32 $0x9;
	_ =	strace $0x8000004B  }
0xb3: {  	_ =	swait.ge [sflag:s29], $0x1  }
0xb4: {  	[sflag:s29] =	ssyncadd.s32 $0xFFFFFFFF  }
0xb5: {  	_ =	strace $0x9000004B  }
0xb6: {  	_ =	sfence  }
0xb7: {  	s30 =	sld [smem:$0x0];
	_ =	sdelay $0x2  }
0xb8: {  	s31 =	sshll.u32 s1, $0xD;
	s1 =	sshrl.u32 s1, $0x2  }
0xb9: {  	s3 =	sand.u32 $0x4000, s31;
	s1 =	sadd.s32 s1, s30  }
0xba: {  	s0 =	sor.u32 s3, s0;
	s1 =	sshll.u32 s1, $0x11  }
0xbb: {  	s0 =	sor.u32 s1, s0  }
0xbc: {  	s0 =	sadd.s32 $0x8F2B, s0  }
0xbd: {  	[sflag:s0] =	ssyncadd.remote.s32 $0x1  }
0xbe: {  	_ =	sfence.sel $0xFFFF  }
0xbf: {  	[dreg:$0x0] =	wrdreg $0xFFFFFFFF;
	(pc) =	sbr.abs _section_cstart, $3  }
0xc0: {  	[dreg:$0x1] =	wrdreg $0xFFFFFFFF  }
0xc1: {  	_ =	task.clear_ibuf [dreg:s7], $0x2FFFF;
	_ =	strace $0x9FFFFFFF  }
0xc2: {  	(tm) =	ssettm $0x7FFFFFFF  }
0xc3: {  	_ =	shalt  }
tec
execute0_lowered:
.L_overlay_start_1:
0x0: {  	(tag) =	ssettag $0x1  }
0x1: {  	s2 =	rddreg [dreg:$0x0]  }
0x2: {  	s4 =	rddreg [dreg:$0x1]  }
0x3: {  	s0 =	rddreg [dreg:$0x2]  }
0x4: {  	s5 =	srdreg.scid;
	s1 =	stileid.u32;
	s3 =	simm.s32 $0x0  }
0x5: {  	s10 =	simm.s32 $0x4280;
	s11 =	simm.s32 $0x100;
	s12 =	simm.s32 $0x8280  }
0x6: {  	s13 =	simm.s32 $0x180;
	s14 =	simm.s32 $0xC280;
	s15 =	simm.s32 $0x200  }
0x7: {  	s16 =	simm.s32 $0x10280;
	s17 =	simm.s32 $0x1;
	s6 =	smul.u32 $0x5000, s1  }
0x8: {  	s18 =	simm.s32 $0x0;
	s5 =	sand.u32 $0x1, s5;
	s8 =	smul.u32 $0x50000, s1  }
0x9: {  	[smem:$0x7FF] =	sst s3;
	s7 =	smul.u32 $0x2800, s5;
	s30 =	ssub.s32 $0x2, s5  }
0xa: {  	_ =	strace $0x8000004A;
	s5 =	smul.u32 $0x28000, s5;
	s9 =	sshrl.u32 s30, $0x1  }
0xb: {  	s8 =	sadd.s32 s8, s4;
	s6 =	sadd.s32 s7, s6;
	s31 =	ssub.s32 s30, s9  }
0xc: {  	s5 =	sadd.s32 s5, s8;
	s7 =	simm.s32 $0x2;
	s6 =	sshrl.u32 s6, $0x3  }
0xd: {  	s8 =	simm.s32 $0x80;
	s9 =	simm.s32 $0x280;
	s6 =	sadd.s32 s6, s4  }
0xe: {  	s5 =	sadd.s32 $0x30200, s5;
	s4 =	smax.u32 s31, $0x1;
	s6 =	sadd.s32 $0x26200, s6  }
.LBB2_1:
0xf: {  	s19 =	sadd.s32 $0x0, s6  }
0x10: {  	[tilespmem:s3], [sflag:$0x2] =	stream.linear.gather [hbm4b:s19+s3], $0x280, $0x38;
	[tilespmem:$0x14280] =	vst v63  }
0x11: {  	_ =	swait.ge [sflag:s7], $0x280  }
0x12: {  	[sflag:s7] =	ssyncset.done $0x0  }
0x13: {  	[sflag:s7] =	ssyncadd.s32 $0xFFFFFD80  }
0x14: {  	[tilespmem:s9], [sflag:$0x1] =	stream.indirect.gather [hbm4b:s2+s8], $0x80, s3, s8, $0xb8;
	[tilespmem:$0x14280] =	vst v63  }
0x15: {  	_ = 	snop  }
0x16: {  	[tilespmem:s10], [sflag:$0x1] =	stream.indirect.gather [hbm4b:s2+s8], $0x80, s8, s8, $0xb8;
	[tilespmem:$0x14280] =	vst v63  }
0x17: {  	_ = 	snop  }
0x18: {  	[tilespmem:s12], [sflag:$0x1] =	stream.indirect.gather [hbm4b:s2+s8], $0x80, s11, s8, $0xb8;
	[tilespmem:$0x14280] =	vst v63  }
0x19: {  	_ = 	snop  }
0x1a: {  	[tilespmem:s14], [sflag:$0x1] =	stream.indirect.gather [hbm4b:s2+s8], $0x80, s13, s8, $0xb8;
	[tilespmem:$0x14280] =	vst v63  }
0x1b: {  	_ = 	snop  }
0x1c: {  	[tilespmem:s16], [sflag:$0x1] =	stream.indirect.gather [hbm4b:s2+s8], $0x80, s15, s8, $0xb8;
	[tilespmem:$0x14280] =	vst v63  }
0x1d: {  	_ =	swait.ge [sflag:s17], $0x4000  }
0x1e: {  	[sflag:s17] =	ssyncset.done $0x0  }
0x1f: {  	[sflag:s17] =	ssyncadd.s32 $0xFFFFC000  }
0x20: {  	_ =	swait.ge [sflag:s17], $0x4000  }
0x21: {  	[sflag:s17] =	ssyncset.done $0x0  }
0x22: {  	[sflag:s17] =	ssyncadd.s32 $0xFFFFC000  }
0x23: {  	_ =	swait.ge [sflag:s17], $0x4000  }
0x24: {  	[sflag:s17] =	ssyncset.done $0x0  }
0x25: {  	[sflag:s17] =	ssyncadd.s32 $0xFFFFC000  }
0x26: {  	_ =	swait.ge [sflag:s17], $0x4000  }
0x27: {  	[sflag:s17] =	ssyncset.done $0x0  }
0x28: {  	[sflag:s17] =	ssyncadd.s32 $0xFFFFC000  }
0x29: {  	_ =	swait.ge [sflag:s17], $0x4000  }
0x2a: {  	[sflag:s17] =	ssyncset.done $0x0  }
0x2b: {  	[sflag:s17] =	ssyncadd.s32 $0xFFFFC000  }
0x2c: {  	[hbm4b:s5+s3] =	stream.linear.scatter [tilespmem:s9], [sflag:$0x2], $0x14000, $0x38;
	[tilespmem:$0x14280] =	vst v63  }
0x2d: {  	s20 =	simm.s32 $0x50;
	_ =	swait.ge [sflag:s7], $0x14000  }
0x2e: {  	s21 =	simm.s32 $0xA0;
	s19 =	sadd.s32 $0x2800, s5;
	[sflag:s7] =	ssyncset.done $0x0  }
.LBB2_2:
0x2f: {  	s22 =	sadd.s32 s20, s6  }
0x30: {  	[sflag:s7] =	ssyncadd.s32 $0xFFFEC000;
	s20 =	smov.u32 s21;
	s23 =	sadd.s32 $0x50, s21  }
0x31: {  	[tilespmem:s3], [sflag:$0x2] =	stream.linear.gather [hbm4b:s22+s3], $0x280, $0x38;
	[tilespmem:$0x14280] =	vst v63  }
0x32: {  	p0 =	sne.s32 s21, $0x4B0;
	_ =	swait.ge [sflag:s7], $0x280  }
0x33: {  	[sflag:s7] =	ssyncset.done $0x0  }
0x34: {  	[sflag:s7] =	ssyncadd.s32 $0xFFFFFD80  }
0x35: {  	[tilespmem:s9], [sflag:$0x1] =	stream.indirect.gather [hbm4b:s2+s8], $0x80, s3, s8, $0xb8;
	[tilespmem:$0x14280] =	vst v63  }
0x36: {  	_ = 	snop  }
0x37: {  	[tilespmem:s10], [sflag:$0x1] =	stream.indirect.gather [hbm4b:s2+s8], $0x80, s8, s8, $0xb8;
	[tilespmem:$0x14280] =	vst v63  }
0x38: {  	_ = 	snop  }
0x39: {  	[tilespmem:s12], [sflag:$0x1] =	stream.indirect.gather [hbm4b:s2+s8], $0x80, s11, s8, $0xb8;
	[tilespmem:$0x14280] =	vst v63  }
0x3a: {  	_ = 	snop  }
0x3b: {  	[tilespmem:s14], [sflag:$0x1] =	stream.indirect.gather [hbm4b:s2+s8], $0x80, s13, s8, $0xb8;
	[tilespmem:$0x14280] =	vst v63  }
0x3c: {  	_ = 	snop  }
0x3d: {  	[tilespmem:s16], [sflag:$0x1] =	stream.indirect.gather [hbm4b:s2+s8], $0x80, s15, s8, $0xb8;
	[tilespmem:$0x14280] =	vst v63  }
0x3e: {  	_ =	swait.ge [sflag:s17], $0x4000  }
0x3f: {  	[sflag:s17] =	ssyncset.done $0x0  }
0x40: {  	[sflag:s17] =	ssyncadd.s32 $0xFFFFC000  }
0x41: {  	_ =	swait.ge [sflag:s17], $0x4000  }
0x42: {  	[sflag:s17] =	ssyncset.done $0x0  }
0x43: {  	[sflag:s17] =	ssyncadd.s32 $0xFFFFC000  }
0x44: {  	_ =	swait.ge [sflag:s17], $0x4000  }
0x45: {  	[sflag:s17] =	ssyncset.done $0x0  }
0x46: {  	[sflag:s17] =	ssyncadd.s32 $0xFFFFC000  }
0x47: {  	_ =	swait.ge [sflag:s17], $0x4000  }
0x48: {  	[sflag:s17] =	ssyncset.done $0x0  }
0x49: {  	[sflag:s17] =	ssyncadd.s32 $0xFFFFC000  }
0x4a: {  	_ =	swait.ge [sflag:s17], $0x4000  }
.Ltmp0:
0x4b: {  	[sflag:s17] =	ssyncset.done $0x0;
	(pc) =	sbr.rel @p0 .LBB2_2-.Ltmp0, $4  }
0x4c: {  	[sflag:s17] =	ssyncadd.s32 $0xFFFFC000  }
0x4d: {  	[hbm4b:s19+s3] =	stream.linear.scatter [tilespmem:s9], [sflag:$0x2], $0x14000, $0x38;
	[tilespmem:$0x14280] =	vst v63  }
0x4e: {  	_ =	swait.ge [sflag:s7], $0x14000  }
0x4f: {  	s21 =	smov.u32 s23;
	s19 =	sadd.s32 $0x2800, s19;
	[sflag:s7] =	ssyncset.done $0x0  }
0x50: {  	s20 =	sadd.s32 s20, s6;
	[sflag:s7] =	ssyncadd.s32 $0xFFFEC000  }
0x51: {  	[tilespmem:s3], [sflag:$0x2] =	stream.linear.gather [hbm4b:s20+s3], $0x280, $0x38;
	[tilespmem:$0x14280] =	vst v63  }
0x52: {  	_ =	swait.ge [sflag:s7], $0x280  }
0x53: {  	[sflag:s7] =	ssyncset.done $0x0  }
0x54: {  	[sflag:s7] =	ssyncadd.s32 $0xFFFFFD80  }
0x55: {  	[tilespmem:s9], [sflag:$0x1] =	stream.indirect.gather [hbm4b:s2+s8], $0x80, s3, s8, $0xb8;
	[tilespmem:$0x14280] =	vst v63  }
0x56: {  	_ = 	snop  }
0x57: {  	[tilespmem:s10], [sflag:$0x1] =	stream.indirect.gather [hbm4b:s2+s8], $0x80, s8, s8, $0xb8;
	[tilespmem:$0x14280] =	vst v63  }
0x58: {  	_ = 	snop  }
0x59: {  	[tilespmem:s12], [sflag:$0x1] =	stream.indirect.gather [hbm4b:s2+s8], $0x80, s11, s8, $0xb8;
	[tilespmem:$0x14280] =	vst v63  }
0x5a: {  	_ = 	snop  }
0x5b: {  	[tilespmem:s14], [sflag:$0x1] =	stream.indirect.gather [hbm4b:s2+s8], $0x80, s13, s8, $0xb8;
	[tilespmem:$0x14280] =	vst v63  }
0x5c: {  	_ = 	snop  }
0x5d: {  	[tilespmem:s16], [sflag:$0x1] =	stream.indirect.gather [hbm4b:s2+s8], $0x80, s15, s8, $0xb8;
	[tilespmem:$0x14280] =	vst v63  }
0x5e: {  	_ =	swait.ge [sflag:s17], $0x4000  }
0x5f: {  	[sflag:s17] =	ssyncset.done $0x0  }
0x60: {  	[sflag:s17] =	ssyncadd.s32 $0xFFFFC000  }
0x61: {  	_ =	swait.ge [sflag:s17], $0x4000  }
0x62: {  	[sflag:s17] =	ssyncset.done $0x0  }
0x63: {  	[sflag:s17] =	ssyncadd.s32 $0xFFFFC000  }
0x64: {  	_ =	swait.ge [sflag:s17], $0x4000  }
0x65: {  	[sflag:s17] =	ssyncset.done $0x0  }
0x66: {  	[sflag:s17] =	ssyncadd.s32 $0xFFFFC000  }
0x67: {  	_ =	swait.ge [sflag:s17], $0x4000  }
0x68: {  	[sflag:s17] =	ssyncset.done $0x0  }
0x69: {  	[sflag:s17] =	ssyncadd.s32 $0xFFFFC000  }
0x6a: {  	s18 =	sadd.s32 $0x1, s18;
	_ =	swait.ge [sflag:s17], $0x4000  }
0x6b: {  	p0 =	sne.s32 s18, s4;
	[sflag:s17] =	ssyncset.done $0x0  }
.Ltmp1:
0x6c: {  	[sflag:s17] =	ssyncadd.s32 $0xFFFFC000;
	(pc) =	sbr.rel @p0 .LBB2_1-.Ltmp1, $4  }
0x6d: {  	[hbm4b:s19+s3] =	stream.linear.scatter [tilespmem:s9], [sflag:$0x2], $0x14000, $0x38;
	[tilespmem:$0x14280] =	vst v63  }
0x6e: {  	_ =	swait.ge [sflag:s7], $0x14000  }
0x6f: {  	[sflag:s7] =	ssyncset.done $0x0  }
0x70: {  	[sflag:s7] =	ssyncadd.s32 $0xFFFEC000  }
0x71: {  	_ =	sfence.sel $0x180000  }
0x72: {  	[bflag:$0x0] =	sbarrier.arrive $0xFFFF  }
0x73: {  	p0 =	sne.s32 s1, $0x0;
	_ =	strace $0x9000004A  }
0x74: {  	s0 =	sadd.s32 @!p0 $0x100000, s0;
	[bflag:$0x2] =	sbarrier.arrive $0xFFFF  }
0x75: {  	[sflag:s0] =	ssyncadd.tile.s32 @!p0 $0x1;
	_ =	shalt  }
.Lfunc_end2:
_tile_overlayer_lowered:
.L_overlay_start_2:
0x76: {  	(tag) =	ssettag $0x2  }
0x77: {  	s0 =	rddreg [dreg:$0x0];
	s2 =	stileid.u32  }
0x78: {  	s1 =	rddreg [dreg:$0x1];
	p0 =	sne.s32 s2, $0x0  }
0x79: {  	s3 =	rddreg [dreg:$0x2];
	[bflag:$0x3] =	sbarrier.arrive $0xFFFF;
	s2 =	simm.s32 @!p0 $0x1C02  }
0x7a: {  	[timem:s3], [sflag:s2] =	dma.local @!p0 [hbm:s0], s1  }
0x7b: {  	s0 =	simm.s32 @!p0 $0x2  }
0x7c: {  	_ =	swait.ge @!p0 [sflag:s0], s1  }
0x7d: {  	s1 =	ssub.s32 @!p0 $0x0, s1;
	[sflag:s0] =	ssyncset.done @!p0 $0x0  }
0x7e: {  	[sflag:s0] =	ssyncadd.s32 @!p0 s1  }
0x7f: {  	[bflag:$0x3] =	sbarrier.arrive $0xFFFF  }
0x80: {  	_ =	shalt  }

</sc_bundles>
